<compile_context>
chip_gen: v7x
topology: tpu7x:2x2x1
jax: 0.10.2.dev20260603
libtpu: 0.0.44.dev20260713+nightly
codegen_flags: <defaults>
</compile_context>

<pallas_src>
import functools

import jax
import jax.numpy as jnp
from jax import lax
from jax.experimental import pallas as pl
from jax.experimental.pallas import tpu as pltpu
from jax.experimental.pallas import tpu_sc as plsc

N_CLS = 4096
N_CTX = 4
CTX_DIM = 512
CTX_LEN = 77
N_SUF = CTX_LEN - N_CTX - 1
VOCAB = 49408
IDX_STRIDE = 80

S = 3
A = 2

_info = plsc.get_sparse_core_info()
_NC = _info.num_cores
_NS = _info.num_subcores
_NW = _NC * _NS
_U = N_CLS // _NW


def _make_sc_call():
  mesh = plsc.VectorSubcoreMesh(core_axis_name="c", subcore_axis_name="s")

  @functools.partial(
      pl.kernel,
      mesh=mesh,
      compiler_params=pltpu.CompilerParams(use_tc_tiling_on_sc=False),
      out_type=jax.ShapeDtypeStruct((N_CLS, CTX_LEN, CTX_DIM), jnp.float32),
      scratch_types=[pltpu.VMEM((CTX_LEN,), jnp.int32) for _ in range(S)]
      + [pltpu.VMEM((CTX_LEN, CTX_DIM), jnp.float32) for _ in range(S)]
      + [pltpu.SemaphoreType.DMA] * (3 * S),
  )
  def sc_kernel(idx_hbm, table_hbm, out_hbm, *rest):
    idxs = rest[:S]
    rows = rest[S:2 * S]
    isem = rest[2 * S:3 * S]
    gsem = rest[3 * S:4 * S]
    wsem = rest[4 * S:5 * S]
    wid = lax.axis_index("s") * _NC + lax.axis_index("c")
    base = wid * _U

    def i_copy(u, s):
      return pltpu.make_async_copy(
          idx_hbm.at[pl.ds((base + u) * IDX_STRIDE, CTX_LEN)], idxs[s],
          isem[s])

    def g_copy(s):
      return pltpu.make_async_copy(table_hbm.at[idxs[s]], rows[s], gsem[s])

    def w_copy(u, s):
      return pltpu.make_async_copy(rows[s], out_hbm.at[base + u], wsem[s])

    def tick(u, k, drain_w, ahead, inext):
      sa = (k + A) % S
      if drain_w:
        w_copy(u - (S - A), sa).wait()
      if ahead:
        i_copy(u + A, sa).wait()
        g_copy(sa).start()
      g_copy(k).wait()
      w_copy(u, k).start()
      if inext:
        i_copy(u + S, k).start()

    for s in range(S):
      i_copy(s, s).start()
    for k in range(A):
      i_copy(k, k).wait()
      g_copy(k).start()

    front = S - A
    steady_len = ((_U - 2 * S + A) // S) * S
    steady_end = front + steady_len

    for u in range(front):
      tick(u, u % S, drain_w=False, ahead=True, inext=True)

    def body(gi, carry):
      u0 = front + gi * S
      for k2 in range(S):
        tick(u0 + k2, (front + k2) % S, drain_w=True, ahead=True, inext=True)
      return carry

    lax.fori_loop(0, steady_len // S, body, 0)

    for u in range(steady_end, _U):
      tick(u, u % S, drain_w=True, ahead=(u + A < _U), inext=(u + S < _U))
    for u in range(_U - (S - A), _U):
      w_copy(u, u % S).wait()

  return sc_kernel


_sc_call = _make_sc_call()


def kernel(tokenized_prompts, ctx, token_embedding):
  table_ext = jnp.concatenate([token_embedding, ctx], axis=0)
  ctx_ids = jnp.broadcast_to(
      jnp.arange(VOCAB, VOCAB + N_CTX, dtype=jnp.int32)[None, :],
      (N_CLS, N_CTX))
  idx = jnp.concatenate(
      [
          tokenized_prompts[:, :1],
          ctx_ids,
          tokenized_prompts[:, 1:1 + N_SUF],
          jnp.zeros((N_CLS, IDX_STRIDE - CTX_LEN), jnp.int32),
      ],
      axis=1,
  ).reshape(-1)
  prompts = _sc_call(idx, table_ext)
  return (prompts, tokenized_prompts)

# --- scband reference (transcript-rebuilt; emitter-appended) ---
"""Pipeline reference for scband-body-part-aware-prompt-learner-29875792511750 (READ-ONLY COPY).

The authoritative reference and input builder live on the scoring server;
editing this copy changes nothing except your own understanding.
"""

import jax, jax.numpy as jnp
import numpy as np

N_CLS = 4096
N_CTX = 4
CTX_DIM = 512
VOCAB = 49408
CTX_LEN = 77

def setup_inputs(seed: int = 0) -> dict:
    key = jax.random.key(seed)
    k1, k2, k3 = jax.random.split(key, 3)
    tokenized_prompts = jax.random.randint(k1, (N_CLS, CTX_LEN), 0, VOCAB, dtype=jnp.int64 if jax.config.jax_enable_x64 else jnp.int32).astype(jnp.int32)
    ctx = jax.random.normal(k2, (N_CTX, CTX_DIM), dtype=jnp.float32) * 0.02
    token_embedding = jax.random.normal(k3, (VOCAB, CTX_DIM), dtype=jnp.float32) * 0.02
    return {"tokenized_prompts": tokenized_prompts, "ctx": ctx, "token_embedding": token_embedding}

def reference(tokenized_prompts, ctx, token_embedding):
    # Embedding lookup: clip_model.token_embedding(tokenized_prompts)
    embedding = jnp.take(token_embedding, tokenized_prompts, axis=0)  # [n_cls, 77, d]
    # token_prefix = embedding[:, :1, :]; token_suffix = embedding[:, 1:-n_ctx, :]
    prefix = embedding[:, :1, :]
    suffix = embedding[:, 1:-N_CTX, :]
    # ctx expanded to all classes (class_token_position == 'end')
    ctx_exp = jnp.broadcast_to(ctx[None, :, :], (tokenized_prompts.shape[0], N_CTX, CTX_DIM))
    prompts = jnp.concatenate([prefix, ctx_exp, suffix], axis=1)  # [n_cls, 77, d]
    return (prompts, tokenized_prompts)

if __name__ == "__main__":
    import jax
    _d = setup_inputs()
    print(jax.jit(kernel)(*tuple(_d.values())))

</pallas_src>

<mosaic_0001>
#map = affine_map<(d0, d1) -> (0)>
#map1 = affine_map<(d0, d1) -> (0, 0)>
#map2 = affine_map<(d0, d1) -> (0, 0, 0)>
module attributes {stable_mosaic.version = 14 : i64} {
  func.func @sc_kernel(%arg0: i32, %arg1: i32, %arg2: memref<327680xi32, #tpu.memory_space<hbm>>, %arg3: memref<49412x512xf32, #tpu.memory_space<hbm>>, %arg4: memref<4096x77x512xf32, #tpu.memory_space<hbm>>, %arg5: memref<77xi32, #tpu.memory_space<vmem>>, %arg6: memref<77xi32, #tpu.memory_space<vmem>>, %arg7: memref<77xi32, #tpu.memory_space<vmem>>, %arg8: memref<77x512xf32, #tpu.memory_space<vmem>>, %arg9: memref<77x512xf32, #tpu.memory_space<vmem>>, %arg10: memref<77x512xf32, #tpu.memory_space<vmem>>, %arg11: memref<!tpu.dma_semaphore, #tpu.memory_space<semaphore_mem>>, %arg12: memref<!tpu.dma_semaphore, #tpu.memory_space<semaphore_mem>>, %arg13: memref<!tpu.dma_semaphore, #tpu.memory_space<semaphore_mem>>, %arg14: memref<!tpu.dma_semaphore, #tpu.memory_space<semaphore_mem>>, %arg15: memref<!tpu.dma_semaphore, #tpu.memory_space<semaphore_mem>>, %arg16: memref<!tpu.dma_semaphore, #tpu.memory_space<semaphore_mem>>, %arg17: memref<!tpu.dma_semaphore, #tpu.memory_space<semaphore_mem>>, %arg18: memref<!tpu.dma_semaphore, #tpu.memory_space<semaphore_mem>>, %arg19: memref<!tpu.dma_semaphore, #tpu.memory_space<semaphore_mem>>) attributes {dimension_semantics = [#tpu.dimension_semantics<core_parallel>, #tpu.dimension_semantics<subcore_parallel>], iteration_bounds = array<i64: 2, 16>, scalar_prefetch = 0 : i64, scratch_operands = 15 : i64, tpu.core_type = #tpu.core_type<sc_vector_subcore>, window_params = [{transform_indices = #map}, {transform_indices = #map1}, {transform_indices = #map2}]} {
    %mul3A = arith.constant 2 : i32
    %mul3A_0 = arith.muli %arg1, %mul3A : i32
    %add3A = arith.addi %mul3A_0, %arg0 : i32
    %mul3A_1 = arith.constant 128 : i32
    %mul3A_2 = arith.muli %add3A, %mul3A_1 : i32
    %add3A_3 = arith.constant 0 : i32
    %add3A_4 = arith.addi %mul3A_2, %add3A_3 : i32
    %mul3A_5 = arith.constant 80 : i32
    %mul3A_6 = arith.muli %add3A_4, %mul3A_5 : i32
    %dma_start3A = tpu.memref_slice %arg2[%mul3A_6] : memref<327680xi32, #tpu.memory_space<hbm>> -> memref<77xi32, #tpu.memory_space<hbm>>
    %dma_start3A_7 = tpu.memref_slice %arg2[%mul3A_6] : memref<327680xi32, #tpu.memory_space<hbm>> -> memref<77xi32, #tpu.memory_space<hbm>>
    tpu.enqueue_dma source(%dma_start3A_7 : memref<77xi32, #tpu.memory_space<hbm>>) target(%arg5 : memref<77xi32, #tpu.memory_space<vmem>>) target_semaphore(%arg11 : memref<!tpu.dma_semaphore, #tpu.memory_space<semaphore_mem>>)
    %add3A_8 = arith.constant 1 : i32
    %add3A_9 = arith.addi %mul3A_2, %add3A_8 : i32
    %mul3A_10 = arith.constant 80 : i32
    %mul3A_11 = arith.muli %add3A_9, %mul3A_10 : i32
    %dma_start3A_12 = tpu.memref_slice %arg2[%mul3A_11] : memref<327680xi32, #tpu.memory_space<hbm>> -> memref<77xi32, #tpu.memory_space<hbm>>
    %dma_start3A_13 = tpu.memref_slice %arg2[%mul3A_11] : memref<327680xi32, #tpu.memory_space<hbm>> -> memref<77xi32, #tpu.memory_space<hbm>>
    tpu.enqueue_dma source(%dma_start3A_13 : memref<77xi32, #tpu.memory_space<hbm>>) target(%arg6 : memref<77xi32, #tpu.memory_space<vmem>>) target_semaphore(%arg12 : memref<!tpu.dma_semaphore, #tpu.memory_space<semaphore_mem>>)
    %add3A_14 = arith.constant 2 : i32
    %add3A_15 = arith.addi %mul3A_2, %add3A_14 : i32
    %mul3A_16 = arith.constant 80 : i32
    %mul3A_17 = arith.muli %add3A_15, %mul3A_16 : i32
    %dma_start3A_18 = tpu.memref_slice %arg2[%mul3A_17] : memref<327680xi32, #tpu.memory_space<hbm>> -> memref<77xi32, #tpu.memory_space<hbm>>
    %dma_start3A_19 = tpu.memref_slice %arg2[%mul3A_17] : memref<327680xi32, #tpu.memory_space<hbm>> -> memref<77xi32, #tpu.memory_space<hbm>>
    tpu.enqueue_dma source(%dma_start3A_19 : memref<77xi32, #tpu.memory_space<hbm>>) target(%arg7 : memref<77xi32, #tpu.memory_space<vmem>>) target_semaphore(%arg13 : memref<!tpu.dma_semaphore, #tpu.memory_space<semaphore_mem>>)
    %add3A_20 = arith.constant 0 : i32
    %add3A_21 = arith.addi %mul3A_2, %add3A_20 : i32
    %mul3A_22 = arith.constant 80 : i32
    %mul3A_23 = arith.muli %add3A_21, %mul3A_22 : i32
    %dma_wait3A = tpu.memref_slice %arg2[%mul3A_23] : memref<327680xi32, #tpu.memory_space<hbm>> -> memref<77xi32, #tpu.memory_space<hbm>>
    %dma_wait3A_24 = tpu.memref_slice %arg2[%mul3A_23] : memref<327680xi32, #tpu.memory_space<hbm>> -> memref<77xi32, #tpu.memory_space<hbm>>
    tpu.wait_dma2 semaphore(%arg11 : memref<!tpu.dma_semaphore, #tpu.memory_space<semaphore_mem>>) src(%dma_wait3A_24 : memref<77xi32, #tpu.memory_space<hbm>>) dst(%arg5 : memref<77xi32, #tpu.memory_space<vmem>>)
    %dma_start3A_25 = arith.constant 0 : i32
    %dma_start3A_26 = arith.constant 0 : i32
    %dma_start3A_27 = tpu.memref_slice %arg3[%dma_start3A_25, %dma_start3A_26] : memref<49412x512xf32, #tpu.memory_space<hbm>> -> memref<49412x512xf32, #tpu.memory_space<hbm>>
    tpu.enqueue_indirect_dma source(%dma_start3A_27 : memref<49412x512xf32, #tpu.memory_space<hbm>>) target(%arg8 : memref<77x512xf32, #tpu.memory_space<vmem>>) offsets(%arg5 : memref<77xi32, #tpu.memory_space<vmem>>) semaphore(%arg14 : memref<!tpu.dma_semaphore, #tpu.memory_space<semaphore_mem>>)
    %add3A_28 = arith.constant 1 : i32
    %add3A_29 = arith.addi %mul3A_2, %add3A_28 : i32
    %mul3A_30 = arith.constant 80 : i32
    %mul3A_31 = arith.muli %add3A_29, %mul3A_30 : i32
    %dma_wait3A_32 = tpu.memref_slice %arg2[%mul3A_31] : memref<327680xi32, #tpu.memory_space<hbm>> -> memref<77xi32, #tpu.memory_space<hbm>>
    %dma_wait3A_33 = tpu.memref_slice %arg2[%mul3A_31] : memref<327680xi32, #tpu.memory_space<hbm>> -> memref<77xi32, #tpu.memory_space<hbm>>
    tpu.wait_dma2 semaphore(%arg12 : memref<!tpu.dma_semaphore, #tpu.memory_space<semaphore_mem>>) src(%dma_wait3A_33 : memref<77xi32, #tpu.memory_space<hbm>>) dst(%arg6 : memref<77xi32, #tpu.memory_space<vmem>>)
    %dma_start3A_34 = arith.constant 0 : i32
    %dma_start3A_35 = arith.constant 0 : i32
    %dma_start3A_36 = tpu.memref_slice %arg3[%dma_start3A_34, %dma_start3A_35] : memref<49412x512xf32, #tpu.memory_space<hbm>> -> memref<49412x512xf32, #tpu.memory_space<hbm>>
    tpu.enqueue_indirect_dma source(%dma_start3A_36 : memref<49412x512xf32, #tpu.memory_space<hbm>>) target(%arg9 : memref<77x512xf32, #tpu.memory_space<vmem>>) offsets(%arg6 : memref<77xi32, #tpu.memory_space<vmem>>) semaphore(%arg15 : memref<!tpu.dma_semaphore, #tpu.memory_space<semaphore_mem>>)
    %add3A_37 = arith.constant 2 : i32
    %add3A_38 = arith.addi %mul3A_2, %add3A_37 : i32
    %mul3A_39 = arith.constant 80 : i32
    %mul3A_40 = arith.muli %add3A_38, %mul3A_39 : i32
    %dma_wait3A_41 = tpu.memref_slice %arg2[%mul3A_40] : memref<327680xi32, #tpu.memory_space<hbm>> -> memref<77xi32, #tpu.memory_space<hbm>>
    %dma_wait3A_42 = tpu.memref_slice %arg2[%mul3A_40] : memref<327680xi32, #tpu.memory_space<hbm>> -> memref<77xi32, #tpu.memory_space<hbm>>
    tpu.wait_dma2 semaphore(%arg13 : memref<!tpu.dma_semaphore, #tpu.memory_space<semaphore_mem>>) src(%dma_wait3A_42 : memref<77xi32, #tpu.memory_space<hbm>>) dst(%arg7 : memref<77xi32, #tpu.memory_space<vmem>>)
    %dma_start3A_43 = arith.constant 0 : i32
    %dma_start3A_44 = arith.constant 0 : i32
    %dma_start3A_45 = tpu.memref_slice %arg3[%dma_start3A_43, %dma_start3A_44] : memref<49412x512xf32, #tpu.memory_space<hbm>> -> memref<49412x512xf32, #tpu.memory_space<hbm>>
    tpu.enqueue_indirect_dma source(%dma_start3A_45 : memref<49412x512xf32, #tpu.memory_space<hbm>>) target(%arg10 : memref<77x512xf32, #tpu.memory_space<vmem>>) offsets(%arg7 : memref<77xi32, #tpu.memory_space<vmem>>) semaphore(%arg16 : memref<!tpu.dma_semaphore, #tpu.memory_space<semaphore_mem>>)
    %dma_wait3A_46 = arith.constant 0 : i32
    %dma_wait3A_47 = arith.constant 0 : i32
    %dma_wait3A_48 = tpu.memref_slice %arg3[%dma_wait3A_46, %dma_wait3A_47] : memref<49412x512xf32, #tpu.memory_space<hbm>> -> memref<49412x512xf32, #tpu.memory_space<hbm>>
    tpu.wait_indirect_dma semaphore(%arg14 : memref<!tpu.dma_semaphore, #tpu.memory_space<semaphore_mem>>) src(%dma_wait3A_48 : memref<49412x512xf32, #tpu.memory_space<hbm>>) dst(%arg8 : memref<77x512xf32, #tpu.memory_space<vmem>>)
    %add3A_49 = arith.constant 0 : i32
    %add3A_50 = arith.addi %mul3A_2, %add3A_49 : i32
    %dma_start3A_51 = arith.constant 0 : i32
    %dma_start3A_52 = arith.constant 0 : i32
    %dma_start3A_53 = tpu.memref_slice %arg4[%add3A_50, %dma_start3A_51, %dma_start3A_52] : memref<4096x77x512xf32, #tpu.memory_space<hbm>> -> memref<1x77x512xf32, #tpu.memory_space<hbm>>
    %dma_start3A_54 = tpu.memref_squeeze %dma_start3A_53 : memref<1x77x512xf32, #tpu.memory_space<hbm>> -> memref<77x512xf32, #tpu.memory_space<hbm>>
    %dma_start3A_55 = arith.constant 0 : i32
    %dma_start3A_56 = arith.constant 0 : i32
    %dma_start3A_57 = tpu.memref_slice %arg4[%add3A_50, %dma_start3A_55, %dma_start3A_56] : memref<4096x77x512xf32, #tpu.memory_space<hbm>> -> memref<1x77x512xf32, #tpu.memory_space<hbm>>
    %dma_start3A_58 = tpu.memref_squeeze %dma_start3A_57 : memref<1x77x512xf32, #tpu.memory_space<hbm>> -> memref<77x512xf32, #tpu.memory_space<hbm>>
    tpu.enqueue_dma source(%arg8 : memref<77x512xf32, #tpu.memory_space<vmem>>) target(%dma_start3A_58 : memref<77x512xf32, #tpu.memory_space<hbm>>) target_semaphore(%arg17 : memref<!tpu.dma_semaphore, #tpu.memory_space<semaphore_mem>>)
    %add3A_59 = arith.constant 3 : i32
    %add3A_60 = arith.addi %mul3A_2, %add3A_59 : i32
    %mul3A_61 = arith.constant 80 : i32
    %mul3A_62 = arith.muli %add3A_60, %mul3A_61 : i32
    %dma_start3A_63 = tpu.memref_slice %arg2[%mul3A_62] : memref<327680xi32, #tpu.memory_space<hbm>> -> memref<77xi32, #tpu.memory_space<hbm>>
    %dma_start3A_64 = tpu.memref_slice %arg2[%mul3A_62] : memref<327680xi32, #tpu.memory_space<hbm>> -> memref<77xi32, #tpu.memory_space<hbm>>
    tpu.enqueue_dma source(%dma_start3A_64 : memref<77xi32, #tpu.memory_space<hbm>>) target(%arg5 : memref<77xi32, #tpu.memory_space<vmem>>) target_semaphore(%arg11 : memref<!tpu.dma_semaphore, #tpu.memory_space<semaphore_mem>>)
    %scan3A = arith.constant 0 : i32
    %scan3A_65 = arith.constant 0 : i32
    %scan3A_66 = arith.constant 41 : i32
    %scan3A_67 = arith.addi %scan3A_65, %scan3A_66 : i32
    %scan3A_68 = arith.constant 1 : i32
    scf.for %scan3A_196 = %scan3A_65 to %scan3A_67 step %scan3A_68  : i32 {
      %mul3A_197 = arith.constant 3 : i32
      %mul3A_198 = arith.muli %scan3A_196, %mul3A_197 : i32
      %add3A_199 = arith.constant 1 : i32
      %add3A_200 = arith.addi %add3A_199, %mul3A_198 : i32
      %add3A_201 = arith.constant 0 : i32
      %add3A_202 = arith.addi %add3A_200, %add3A_201 : i32
      %sub3A = arith.constant 1 : i32
      %sub3A_203 = arith.subi %add3A_202, %sub3A : i32
      %add3A_204 = arith.addi %mul3A_2, %sub3A_203 : i32
      %dma_wait3A_205 = arith.constant 0 : i32
      %dma_wait3A_206 = arith.constant 0 : i32
      %dma_wait3A_207 = tpu.memref_slice %arg4[%add3A_204, %dma_wait3A_205, %dma_wait3A_206] : memref<4096x77x512xf32, #tpu.memory_space<hbm>> -> memref<1x77x512xf32, #tpu.memory_space<hbm>>
      %dma_wait3A_208 = tpu.memref_squeeze %dma_wait3A_207 : memref<1x77x512xf32, #tpu.memory_space<hbm>> -> memref<77x512xf32, #tpu.memory_space<hbm>>
      %dma_wait3A_209 = arith.constant 0 : i32
      %dma_wait3A_210 = arith.constant 0 : i32
      %dma_wait3A_211 = tpu.memref_slice %arg4[%add3A_204, %dma_wait3A_209, %dma_wait3A_210] : memref<4096x77x512xf32, #tpu.memory_space<hbm>> -> memref<1x77x512xf32, #tpu.memory_space<hbm>>
      %dma_wait3A_212 = tpu.memref_squeeze %dma_wait3A_211 : memref<1x77x512xf32, #tpu.memory_space<hbm>> -> memref<77x512xf32, #tpu.memory_space<hbm>>
      tpu.wait_dma2 semaphore(%arg17 : memref<!tpu.dma_semaphore, #tpu.memory_space<semaphore_mem>>) src(%arg8 : memref<77x512xf32, #tpu.memory_space<vmem>>) dst(%dma_wait3A_212 : memref<77x512xf32, #tpu.memory_space<hbm>>)
      %add3A_213 = arith.constant 2 : i32
      %add3A_214 = arith.addi %add3A_202, %add3A_213 : i32
      %add3A_215 = arith.addi %mul3A_2, %add3A_214 : i32
      %mul3A_216 = arith.constant 80 : i32
      %mul3A_217 = arith.muli %add3A_215, %mul3A_216 : i32
      %dma_wait3A_218 = tpu.memref_slice %arg2[%mul3A_217] : memref<327680xi32, #tpu.memory_space<hbm>> -> memref<77xi32, #tpu.memory_space<hbm>>
      %dma_wait3A_219 = tpu.memref_slice %arg2[%mul3A_217] : memref<327680xi32, #tpu.memory_space<hbm>> -> memref<77xi32, #tpu.memory_space<hbm>>
      tpu.wait_dma2 semaphore(%arg11 : memref<!tpu.dma_semaphore, #tpu.memory_space<semaphore_mem>>) src(%dma_wait3A_219 : memref<77xi32, #tpu.memory_space<hbm>>) dst(%arg5 : memref<77xi32, #tpu.memory_space<vmem>>)
      %dma_start3A_220 = arith.constant 0 : i32
      %dma_start3A_221 = arith.constant 0 : i32
      %dma_start3A_222 = tpu.memref_slice %arg3[%dma_start3A_220, %dma_start3A_221] : memref<49412x512xf32, #tpu.memory_space<hbm>> -> memref<49412x512xf32, #tpu.memory_space<hbm>>
      tpu.enqueue_indirect_dma source(%dma_start3A_222 : memref<49412x512xf32, #tpu.memory_space<hbm>>) target(%arg8 : memref<77x512xf32, #tpu.memory_space<vmem>>) offsets(%arg5 : memref<77xi32, #tpu.memory_space<vmem>>) semaphore(%arg14 : memref<!tpu.dma_semaphore, #tpu.memory_space<semaphore_mem>>)
      %dma_wait3A_223 = arith.constant 0 : i32
      %dma_wait3A_224 = arith.constant 0 : i32
      %dma_wait3A_225 = tpu.memref_slice %arg3[%dma_wait3A_223, %dma_wait3A_224] : memref<49412x512xf32, #tpu.memory_space<hbm>> -> memref<49412x512xf32, #tpu.memory_space<hbm>>
      tpu.wait_indirect_dma semaphore(%arg15 : memref<!tpu.dma_semaphore, #tpu.memory_space<semaphore_mem>>) src(%dma_wait3A_225 : memref<49412x512xf32, #tpu.memory_space<hbm>>) dst(%arg9 : memref<77x512xf32, #tpu.memory_space<vmem>>)
      %add3A_226 = arith.addi %mul3A_2, %add3A_202 : i32
      %dma_start3A_227 = arith.constant 0 : i32
      %dma_start3A_228 = arith.constant 0 : i32
      %dma_start3A_229 = tpu.memref_slice %arg4[%add3A_226, %dma_start3A_227, %dma_start3A_228] : memref<4096x77x512xf32, #tpu.memory_space<hbm>> -> memref<1x77x512xf32, #tpu.memory_space<hbm>>
      %dma_start3A_230 = tpu.memref_squeeze %dma_start3A_229 : memref<1x77x512xf32, #tpu.memory_space<hbm>> -> memref<77x512xf32, #tpu.memory_space<hbm>>
      %dma_start3A_231 = arith.constant 0 : i32
      %dma_start3A_232 = arith.constant 0 : i32
      %dma_start3A_233 = tpu.memref_slice %arg4[%add3A_226, %dma_start3A_231, %dma_start3A_232] : memref<4096x77x512xf32, #tpu.memory_space<hbm>> -> memref<1x77x512xf32, #tpu.memory_space<hbm>>
      %dma_start3A_234 = tpu.memref_squeeze %dma_start3A_233 : memref<1x77x512xf32, #tpu.memory_space<hbm>> -> memref<77x512xf32, #tpu.memory_space<hbm>>
      tpu.enqueue_dma source(%arg9 : memref<77x512xf32, #tpu.memory_space<vmem>>) target(%dma_start3A_234 : memref<77x512xf32, #tpu.memory_space<hbm>>) target_semaphore(%arg18 : memref<!tpu.dma_semaphore, #tpu.memory_space<semaphore_mem>>)
      %add3A_235 = arith.constant 3 : i32
      %add3A_236 = arith.addi %add3A_202, %add3A_235 : i32
      %add3A_237 = arith.addi %mul3A_2, %add3A_236 : i32
      %mul3A_238 = arith.constant 80 : i32
      %mul3A_239 = arith.muli %add3A_237, %mul3A_238 : i32
      %dma_start3A_240 = tpu.memref_slice %arg2[%mul3A_239] : memref<327680xi32, #tpu.memory_space<hbm>> -> memref<77xi32, #tpu.memory_space<hbm>>
      %dma_start3A_241 = tpu.memref_slice %arg2[%mul3A_239] : memref<327680xi32, #tpu.memory_space<hbm>> -> memref<77xi32, #tpu.memory_space<hbm>>
      tpu.enqueue_dma source(%dma_start3A_241 : memref<77xi32, #tpu.memory_space<hbm>>) target(%arg6 : memref<77xi32, #tpu.memory_space<vmem>>) target_semaphore(%arg12 : memref<!tpu.dma_semaphore, #tpu.memory_space<semaphore_mem>>)
      %add3A_242 = arith.constant 1 : i32
      %add3A_243 = arith.addi %add3A_200, %add3A_242 : i32
      %sub3A_244 = arith.constant 1 : i32
      %sub3A_245 = arith.subi %add3A_243, %sub3A_244 : i32
      %add3A_246 = arith.addi %mul3A_2, %sub3A_245 : i32
      %dma_wait3A_247 = arith.constant 0 : i32
      %dma_wait3A_248 = arith.constant 0 : i32
      %dma_wait3A_249 = tpu.memref_slice %arg4[%add3A_246, %dma_wait3A_247, %dma_wait3A_248] : memref<4096x77x512xf32, #tpu.memory_space<hbm>> -> memref<1x77x512xf32, #tpu.memory_space<hbm>>
      %dma_wait3A_250 = tpu.memref_squeeze %dma_wait3A_249 : memref<1x77x512xf32, #tpu.memory_space<hbm>> -> memref<77x512xf32, #tpu.memory_space<hbm>>
      %dma_wait3A_251 = arith.constant 0 : i32
      %dma_wait3A_252 = arith.constant 0 : i32
      %dma_wait3A_253 = tpu.memref_slice %arg4[%add3A_246, %dma_wait3A_251, %dma_wait3A_252] : memref<4096x77x512xf32, #tpu.memory_space<hbm>> -> memref<1x77x512xf32, #tpu.memory_space<hbm>>
      %dma_wait3A_254 = tpu.memref_squeeze %dma_wait3A_253 : memref<1x77x512xf32, #tpu.memory_space<hbm>> -> memref<77x512xf32, #tpu.memory_space<hbm>>
      tpu.wait_dma2 semaphore(%arg18 : memref<!tpu.dma_semaphore, #tpu.memory_space<semaphore_mem>>) src(%arg9 : memref<77x512xf32, #tpu.memory_space<vmem>>) dst(%dma_wait3A_254 : memref<77x512xf32, #tpu.memory_space<hbm>>)
      %add3A_255 = arith.constant 2 : i32
      %add3A_256 = arith.addi %add3A_243, %add3A_255 : i32
      %add3A_257 = arith.addi %mul3A_2, %add3A_256 : i32
      %mul3A_258 = arith.constant 80 : i32
      %mul3A_259 = arith.muli %add3A_257, %mul3A_258 : i32
      %dma_wait3A_260 = tpu.memref_slice %arg2[%mul3A_259] : memref<327680xi32, #tpu.memory_space<hbm>> -> memref<77xi32, #tpu.memory_space<hbm>>
      %dma_wait3A_261 = tpu.memref_slice %arg2[%mul3A_259] : memref<327680xi32, #tpu.memory_space<hbm>> -> memref<77xi32, #tpu.memory_space<hbm>>
      tpu.wait_dma2 semaphore(%arg12 : memref<!tpu.dma_semaphore, #tpu.memory_space<semaphore_mem>>) src(%dma_wait3A_261 : memref<77xi32, #tpu.memory_space<hbm>>) dst(%arg6 : memref<77xi32, #tpu.memory_space<vmem>>)
      %dma_start3A_262 = arith.constant 0 : i32
      %dma_start3A_263 = arith.constant 0 : i32
      %dma_start3A_264 = tpu.memref_slice %arg3[%dma_start3A_262, %dma_start3A_263] : memref<49412x512xf32, #tpu.memory_space<hbm>> -> memref<49412x512xf32, #tpu.memory_space<hbm>>
      tpu.enqueue_indirect_dma source(%dma_start3A_264 : memref<49412x512xf32, #tpu.memory_space<hbm>>) target(%arg9 : memref<77x512xf32, #tpu.memory_space<vmem>>) offsets(%arg6 : memref<77xi32, #tpu.memory_space<vmem>>) semaphore(%arg15 : memref<!tpu.dma_semaphore, #tpu.memory_space<semaphore_mem>>)
      %dma_wait3A_265 = arith.constant 0 : i32
      %dma_wait3A_266 = arith.constant 0 : i32
      %dma_wait3A_267 = tpu.memref_slice %arg3[%dma_wait3A_265, %dma_wait3A_266] : memref<49412x512xf32, #tpu.memory_space<hbm>> -> memref<49412x512xf32, #tpu.memory_space<hbm>>
      tpu.wait_indirect_dma semaphore(%arg16 : memref<!tpu.dma_semaphore, #tpu.memory_space<semaphore_mem>>) src(%dma_wait3A_267 : memref<49412x512xf32, #tpu.memory_space<hbm>>) dst(%arg10 : memref<77x512xf32, #tpu.memory_space<vmem>>)
      %add3A_268 = arith.addi %mul3A_2, %add3A_243 : i32
      %dma_start3A_269 = arith.constant 0 : i32
      %dma_start3A_270 = arith.constant 0 : i32
      %dma_start3A_271 = tpu.memref_slice %arg4[%add3A_268, %dma_start3A_269, %dma_start3A_270] : memref<4096x77x512xf32, #tpu.memory_space<hbm>> -> memref<1x77x512xf32, #tpu.memory_space<hbm>>
      %dma_start3A_272 = tpu.memref_squeeze %dma_start3A_271 : memref<1x77x512xf32, #tpu.memory_space<hbm>> -> memref<77x512xf32, #tpu.memory_space<hbm>>
      %dma_start3A_273 = arith.constant 0 : i32
      %dma_start3A_274 = arith.constant 0 : i32
      %dma_start3A_275 = tpu.memref_slice %arg4[%add3A_268, %dma_start3A_273, %dma_start3A_274] : memref<4096x77x512xf32, #tpu.memory_space<hbm>> -> memref<1x77x512xf32, #tpu.memory_space<hbm>>
      %dma_start3A_276 = tpu.memref_squeeze %dma_start3A_275 : memref<1x77x512xf32, #tpu.memory_space<hbm>> -> memref<77x512xf32, #tpu.memory_space<hbm>>
      tpu.enqueue_dma source(%arg10 : memref<77x512xf32, #tpu.memory_space<vmem>>) target(%dma_start3A_276 : memref<77x512xf32, #tpu.memory_space<hbm>>) target_semaphore(%arg19 : memref<!tpu.dma_semaphore, #tpu.memory_space<semaphore_mem>>)
      %add3A_277 = arith.constant 3 : i32
      %add3A_278 = arith.addi %add3A_243, %add3A_277 : i32
      %add3A_279 = arith.addi %mul3A_2, %add3A_278 : i32
      %mul3A_280 = arith.constant 80 : i32
      %mul3A_281 = arith.muli %add3A_279, %mul3A_280 : i32
      %dma_start3A_282 = tpu.memref_slice %arg2[%mul3A_281] : memref<327680xi32, #tpu.memory_space<hbm>> -> memref<77xi32, #tpu.memory_space<hbm>>
      %dma_start3A_283 = tpu.memref_slice %arg2[%mul3A_281] : memref<327680xi32, #tpu.memory_space<hbm>> -> memref<77xi32, #tpu.memory_space<hbm>>
      tpu.enqueue_dma source(%dma_start3A_283 : memref<77xi32, #tpu.memory_space<hbm>>) target(%arg7 : memref<77xi32, #tpu.memory_space<vmem>>) target_semaphore(%arg13 : memref<!tpu.dma_semaphore, #tpu.memory_space<semaphore_mem>>)
      %add3A_284 = arith.constant 2 : i32
      %add3A_285 = arith.addi %add3A_200, %add3A_284 : i32
      %sub3A_286 = arith.constant 1 : i32
      %sub3A_287 = arith.subi %add3A_285, %sub3A_286 : i32
      %add3A_288 = arith.addi %mul3A_2, %sub3A_287 : i32
      %dma_wait3A_289 = arith.constant 0 : i32
      %dma_wait3A_290 = arith.constant 0 : i32
      %dma_wait3A_291 = tpu.memref_slice %arg4[%add3A_288, %dma_wait3A_289, %dma_wait3A_290] : memref<4096x77x512xf32, #tpu.memory_space<hbm>> -> memref<1x77x512xf32, #tpu.memory_space<hbm>>
      %dma_wait3A_292 = tpu.memref_squeeze %dma_wait3A_291 : memref<1x77x512xf32, #tpu.memory_space<hbm>> -> memref<77x512xf32, #tpu.memory_space<hbm>>
      %dma_wait3A_293 = arith.constant 0 : i32
      %dma_wait3A_294 = arith.constant 0 : i32
      %dma_wait3A_295 = tpu.memref_slice %arg4[%add3A_288, %dma_wait3A_293, %dma_wait3A_294] : memref<4096x77x512xf32, #tpu.memory_space<hbm>> -> memref<1x77x512xf32, #tpu.memory_space<hbm>>
      %dma_wait3A_296 = tpu.memref_squeeze %dma_wait3A_295 : memref<1x77x512xf32, #tpu.memory_space<hbm>> -> memref<77x512xf32, #tpu.memory_space<hbm>>
      tpu.wait_dma2 semaphore(%arg19 : memref<!tpu.dma_semaphore, #tpu.memory_space<semaphore_mem>>) src(%arg10 : memref<77x512xf32, #tpu.memory_space<vmem>>) dst(%dma_wait3A_296 : memref<77x512xf32, #tpu.memory_space<hbm>>)
      %add3A_297 = arith.constant 2 : i32
      %add3A_298 = arith.addi %add3A_285, %add3A_297 : i32
      %add3A_299 = arith.addi %mul3A_2, %add3A_298 : i32
      %mul3A_300 = arith.constant 80 : i32
      %mul3A_301 = arith.muli %add3A_299, %mul3A_300 : i32
      %dma_wait3A_302 = tpu.memref_slice %arg2[%mul3A_301] : memref<327680xi32, #tpu.memory_space<hbm>> -> memref<77xi32, #tpu.memory_space<hbm>>
      %dma_wait3A_303 = tpu.memref_slice %arg2[%mul3A_301] : memref<327680xi32, #tpu.memory_space<hbm>> -> memref<77xi32, #tpu.memory_space<hbm>>
      tpu.wait_dma2 semaphore(%arg13 : memref<!tpu.dma_semaphore, #tpu.memory_space<semaphore_mem>>) src(%dma_wait3A_303 : memref<77xi32, #tpu.memory_space<hbm>>) dst(%arg7 : memref<77xi32, #tpu.memory_space<vmem>>)
      %dma_start3A_304 = arith.constant 0 : i32
      %dma_start3A_305 = arith.constant 0 : i32
      %dma_start3A_306 = tpu.memref_slice %arg3[%dma_start3A_304, %dma_start3A_305] : memref<49412x512xf32, #tpu.memory_space<hbm>> -> memref<49412x512xf32, #tpu.memory_space<hbm>>
      tpu.enqueue_indirect_dma source(%dma_start3A_306 : memref<49412x512xf32, #tpu.memory_space<hbm>>) target(%arg10 : memref<77x512xf32, #tpu.memory_space<vmem>>) offsets(%arg7 : memref<77xi32, #tpu.memory_space<vmem>>) semaphore(%arg16 : memref<!tpu.dma_semaphore, #tpu.memory_space<semaphore_mem>>)
      %dma_wait3A_307 = arith.constant 0 : i32
      %dma_wait3A_308 = arith.constant 0 : i32
      %dma_wait3A_309 = tpu.memref_slice %arg3[%dma_wait3A_307, %dma_wait3A_308] : memref<49412x512xf32, #tpu.memory_space<hbm>> -> memref<49412x512xf32, #tpu.memory_space<hbm>>
      tpu.wait_indirect_dma semaphore(%arg14 : memref<!tpu.dma_semaphore, #tpu.memory_space<semaphore_mem>>) src(%dma_wait3A_309 : memref<49412x512xf32, #tpu.memory_space<hbm>>) dst(%arg8 : memref<77x512xf32, #tpu.memory_space<vmem>>)
      %add3A_310 = arith.addi %mul3A_2, %add3A_285 : i32
      %dma_start3A_311 = arith.constant 0 : i32
      %dma_start3A_312 = arith.constant 0 : i32
      %dma_start3A_313 = tpu.memref_slice %arg4[%add3A_310, %dma_start3A_311, %dma_start3A_312] : memref<4096x77x512xf32, #tpu.memory_space<hbm>> -> memref<1x77x512xf32, #tpu.memory_space<hbm>>
      %dma_start3A_314 = tpu.memref_squeeze %dma_start3A_313 : memref<1x77x512xf32, #tpu.memory_space<hbm>> -> memref<77x512xf32, #tpu.memory_space<hbm>>
      %dma_start3A_315 = arith.constant 0 : i32
      %dma_start3A_316 = arith.constant 0 : i32
      %dma_start3A_317 = tpu.memref_slice %arg4[%add3A_310, %dma_start3A_315, %dma_start3A_316] : memref<4096x77x512xf32, #tpu.memory_space<hbm>> -> memref<1x77x512xf32, #tpu.memory_space<hbm>>
      %dma_start3A_318 = tpu.memref_squeeze %dma_start3A_317 : memref<1x77x512xf32, #tpu.memory_space<hbm>> -> memref<77x512xf32, #tpu.memory_space<hbm>>
      tpu.enqueue_dma source(%arg8 : memref<77x512xf32, #tpu.memory_space<vmem>>) target(%dma_start3A_318 : memref<77x512xf32, #tpu.memory_space<hbm>>) target_semaphore(%arg17 : memref<!tpu.dma_semaphore, #tpu.memory_space<semaphore_mem>>)
      %add3A_319 = arith.constant 3 : i32
      %add3A_320 = arith.addi %add3A_285, %add3A_319 : i32
      %add3A_321 = arith.addi %mul3A_2, %add3A_320 : i32
      %mul3A_322 = arith.constant 80 : i32
      %mul3A_323 = arith.muli %add3A_321, %mul3A_322 : i32
      %dma_start3A_324 = tpu.memref_slice %arg2[%mul3A_323] : memref<327680xi32, #tpu.memory_space<hbm>> -> memref<77xi32, #tpu.memory_space<hbm>>
      %dma_start3A_325 = tpu.memref_slice %arg2[%mul3A_323] : memref<327680xi32, #tpu.memory_space<hbm>> -> memref<77xi32, #tpu.memory_space<hbm>>
      tpu.enqueue_dma source(%dma_start3A_325 : memref<77xi32, #tpu.memory_space<hbm>>) target(%arg5 : memref<77xi32, #tpu.memory_space<vmem>>) target_semaphore(%arg11 : memref<!tpu.dma_semaphore, #tpu.memory_space<semaphore_mem>>)
    }
    %scan3A_69 = arith.constant 41 : i32
    %add3A_70 = arith.constant 123 : i32
    %add3A_71 = arith.addi %mul3A_2, %add3A_70 : i32
    %dma_wait3A_72 = arith.constant 0 : i32
    %dma_wait3A_73 = arith.constant 0 : i32
    %dma_wait3A_74 = tpu.memref_slice %arg4[%add3A_71, %dma_wait3A_72, %dma_wait3A_73] : memref<4096x77x512xf32, #tpu.memory_space<hbm>> -> memref<1x77x512xf32, #tpu.memory_space<hbm>>
    %dma_wait3A_75 = tpu.memref_squeeze %dma_wait3A_74 : memref<1x77x512xf32, #tpu.memory_space<hbm>> -> memref<77x512xf32, #tpu.memory_space<hbm>>
    %dma_wait3A_76 = arith.constant 0 : i32
    %dma_wait3A_77 = arith.constant 0 : i32
    %dma_wait3A_78 = tpu.memref_slice %arg4[%add3A_71, %dma_wait3A_76, %dma_wait3A_77] : memref<4096x77x512xf32, #tpu.memory_space<hbm>> -> memref<1x77x512xf32, #tpu.memory_space<hbm>>
    %dma_wait3A_79 = tpu.memref_squeeze %dma_wait3A_78 : memref<1x77x512xf32, #tpu.memory_space<hbm>> -> memref<77x512xf32, #tpu.memory_space<hbm>>
    tpu.wait_dma2 semaphore(%arg17 : memref<!tpu.dma_semaphore, #tpu.memory_space<semaphore_mem>>) src(%arg8 : memref<77x512xf32, #tpu.memory_space<vmem>>) dst(%dma_wait3A_79 : memref<77x512xf32, #tpu.memory_space<hbm>>)
    %add3A_80 = arith.constant 126 : i32
    %add3A_81 = arith.addi %mul3A_2, %add3A_80 : i32
    %mul3A_82 = arith.constant 80 : i32
    %mul3A_83 = arith.muli %add3A_81, %mul3A_82 : i32
    %dma_wait3A_84 = tpu.memref_slice %arg2[%mul3A_83] : memref<327680xi32, #tpu.memory_space<hbm>> -> memref<77xi32, #tpu.memory_space<hbm>>
    %dma_wait3A_85 = tpu.memref_slice %arg2[%mul3A_83] : memref<327680xi32, #tpu.memory_space<hbm>> -> memref<77xi32, #tpu.memory_space<hbm>>
    tpu.wait_dma2 semaphore(%arg11 : memref<!tpu.dma_semaphore, #tpu.memory_space<semaphore_mem>>) src(%dma_wait3A_85 : memref<77xi32, #tpu.memory_space<hbm>>) dst(%arg5 : memref<77xi32, #tpu.memory_space<vmem>>)
    %dma_start3A_86 = arith.constant 0 : i32
    %dma_start3A_87 = arith.constant 0 : i32
    %dma_start3A_88 = tpu.memref_slice %arg3[%dma_start3A_86, %dma_start3A_87] : memref<49412x512xf32, #tpu.memory_space<hbm>> -> memref<49412x512xf32, #tpu.memory_space<hbm>>
    tpu.enqueue_indirect_dma source(%dma_start3A_88 : memref<49412x512xf32, #tpu.memory_space<hbm>>) target(%arg8 : memref<77x512xf32, #tpu.memory_space<vmem>>) offsets(%arg5 : memref<77xi32, #tpu.memory_space<vmem>>) semaphore(%arg14 : memref<!tpu.dma_semaphore, #tpu.memory_space<semaphore_mem>>)
    %dma_wait3A_89 = arith.constant 0 : i32
    %dma_wait3A_90 = arith.constant 0 : i32
    %dma_wait3A_91 = tpu.memref_slice %arg3[%dma_wait3A_89, %dma_wait3A_90] : memref<49412x512xf32, #tpu.memory_space<hbm>> -> memref<49412x512xf32, #tpu.memory_space<hbm>>
    tpu.wait_indirect_dma semaphore(%arg15 : memref<!tpu.dma_semaphore, #tpu.memory_space<semaphore_mem>>) src(%dma_wait3A_91 : memref<49412x512xf32, #tpu.memory_space<hbm>>) dst(%arg9 : memref<77x512xf32, #tpu.memory_space<vmem>>)
    %add3A_92 = arith.constant 124 : i32
    %add3A_93 = arith.addi %mul3A_2, %add3A_92 : i32
    %dma_start3A_94 = arith.constant 0 : i32
    %dma_start3A_95 = arith.constant 0 : i32
    %dma_start3A_96 = tpu.memref_slice %arg4[%add3A_93, %dma_start3A_94, %dma_start3A_95] : memref<4096x77x512xf32, #tpu.memory_space<hbm>> -> memref<1x77x512xf32, #tpu.memory_space<hbm>>
    %dma_start3A_97 = tpu.memref_squeeze %dma_start3A_96 : memref<1x77x512xf32, #tpu.memory_space<hbm>> -> memref<77x512xf32, #tpu.memory_space<hbm>>
    %dma_start3A_98 = arith.constant 0 : i32
    %dma_start3A_99 = arith.constant 0 : i32
    %dma_start3A_100 = tpu.memref_slice %arg4[%add3A_93, %dma_start3A_98, %dma_start3A_99] : memref<4096x77x512xf32, #tpu.memory_space<hbm>> -> memref<1x77x512xf32, #tpu.memory_space<hbm>>
    %dma_start3A_101 = tpu.memref_squeeze %dma_start3A_100 : memref<1x77x512xf32, #tpu.memory_space<hbm>> -> memref<77x512xf32, #tpu.memory_space<hbm>>
    tpu.enqueue_dma source(%arg9 : memref<77x512xf32, #tpu.memory_space<vmem>>) target(%dma_start3A_101 : memref<77x512xf32, #tpu.memory_space<hbm>>) target_semaphore(%arg18 : memref<!tpu.dma_semaphore, #tpu.memory_space<semaphore_mem>>)
    %add3A_102 = arith.constant 127 : i32
    %add3A_103 = arith.addi %mul3A_2, %add3A_102 : i32
    %mul3A_104 = arith.constant 80 : i32
    %mul3A_105 = arith.muli %add3A_103, %mul3A_104 : i32
    %dma_start3A_106 = tpu.memref_slice %arg2[%mul3A_105] : memref<327680xi32, #tpu.memory_space<hbm>> -> memref<77xi32, #tpu.memory_space<hbm>>
    %dma_start3A_107 = tpu.memref_slice %arg2[%mul3A_105] : memref<327680xi32, #tpu.memory_space<hbm>> -> memref<77xi32, #tpu.memory_space<hbm>>
    tpu.enqueue_dma source(%dma_start3A_107 : memref<77xi32, #tpu.memory_space<hbm>>) target(%arg6 : memref<77xi32, #tpu.memory_space<vmem>>) target_semaphore(%arg12 : memref<!tpu.dma_semaphore, #tpu.memory_space<semaphore_mem>>)
    %add3A_108 = arith.constant 124 : i32
    %add3A_109 = arith.addi %mul3A_2, %add3A_108 : i32
    %dma_wait3A_110 = arith.constant 0 : i32
    %dma_wait3A_111 = arith.constant 0 : i32
    %dma_wait3A_112 = tpu.memref_slice %arg4[%add3A_109, %dma_wait3A_110, %dma_wait3A_111] : memref<4096x77x512xf32, #tpu.memory_space<hbm>> -> memref<1x77x512xf32, #tpu.memory_space<hbm>>
    %dma_wait3A_113 = tpu.memref_squeeze %dma_wait3A_112 : memref<1x77x512xf32, #tpu.memory_space<hbm>> -> memref<77x512xf32, #tpu.memory_space<hbm>>
    %dma_wait3A_114 = arith.constant 0 : i32
    %dma_wait3A_115 = arith.constant 0 : i32
    %dma_wait3A_116 = tpu.memref_slice %arg4[%add3A_109, %dma_wait3A_114, %dma_wait3A_115] : memref<4096x77x512xf32, #tpu.memory_space<hbm>> -> memref<1x77x512xf32, #tpu.memory_space<hbm>>
    %dma_wait3A_117 = tpu.memref_squeeze %dma_wait3A_116 : memref<1x77x512xf32, #tpu.memory_space<hbm>> -> memref<77x512xf32, #tpu.memory_space<hbm>>
    tpu.wait_dma2 semaphore(%arg18 : memref<!tpu.dma_semaphore, #tpu.memory_space<semaphore_mem>>) src(%arg9 : memref<77x512xf32, #tpu.memory_space<vmem>>) dst(%dma_wait3A_117 : memref<77x512xf32, #tpu.memory_space<hbm>>)
    %add3A_118 = arith.constant 127 : i32
    %add3A_119 = arith.addi %mul3A_2, %add3A_118 : i32
    %mul3A_120 = arith.constant 80 : i32
    %mul3A_121 = arith.muli %add3A_119, %mul3A_120 : i32
    %dma_wait3A_122 = tpu.memref_slice %arg2[%mul3A_121] : memref<327680xi32, #tpu.memory_space<hbm>> -> memref<77xi32, #tpu.memory_space<hbm>>
    %dma_wait3A_123 = tpu.memref_slice %arg2[%mul3A_121] : memref<327680xi32, #tpu.memory_space<hbm>> -> memref<77xi32, #tpu.memory_space<hbm>>
    tpu.wait_dma2 semaphore(%arg12 : memref<!tpu.dma_semaphore, #tpu.memory_space<semaphore_mem>>) src(%dma_wait3A_123 : memref<77xi32, #tpu.memory_space<hbm>>) dst(%arg6 : memref<77xi32, #tpu.memory_space<vmem>>)
    %dma_start3A_124 = arith.constant 0 : i32
    %dma_start3A_125 = arith.constant 0 : i32
    %dma_start3A_126 = tpu.memref_slice %arg3[%dma_start3A_124, %dma_start3A_125] : memref<49412x512xf32, #tpu.memory_space<hbm>> -> memref<49412x512xf32, #tpu.memory_space<hbm>>
    tpu.enqueue_indirect_dma source(%dma_start3A_126 : memref<49412x512xf32, #tpu.memory_space<hbm>>) target(%arg9 : memref<77x512xf32, #tpu.memory_space<vmem>>) offsets(%arg6 : memref<77xi32, #tpu.memory_space<vmem>>) semaphore(%arg15 : memref<!tpu.dma_semaphore, #tpu.memory_space<semaphore_mem>>)
    %dma_wait3A_127 = arith.constant 0 : i32
    %dma_wait3A_128 = arith.constant 0 : i32
    %dma_wait3A_129 = tpu.memref_slice %arg3[%dma_wait3A_127, %dma_wait3A_128] : memref<49412x512xf32, #tpu.memory_space<hbm>> -> memref<49412x512xf32, #tpu.memory_space<hbm>>
    tpu.wait_indirect_dma semaphore(%arg16 : memref<!tpu.dma_semaphore, #tpu.memory_space<semaphore_mem>>) src(%dma_wait3A_129 : memref<49412x512xf32, #tpu.memory_space<hbm>>) dst(%arg10 : memref<77x512xf32, #tpu.memory_space<vmem>>)
    %add3A_130 = arith.constant 125 : i32
    %add3A_131 = arith.addi %mul3A_2, %add3A_130 : i32
    %dma_start3A_132 = arith.constant 0 : i32
    %dma_start3A_133 = arith.constant 0 : i32
    %dma_start3A_134 = tpu.memref_slice %arg4[%add3A_131, %dma_start3A_132, %dma_start3A_133] : memref<4096x77x512xf32, #tpu.memory_space<hbm>> -> memref<1x77x512xf32, #tpu.memory_space<hbm>>
    %dma_start3A_135 = tpu.memref_squeeze %dma_start3A_134 : memref<1x77x512xf32, #tpu.memory_space<hbm>> -> memref<77x512xf32, #tpu.memory_space<hbm>>
    %dma_start3A_136 = arith.constant 0 : i32
    %dma_start3A_137 = arith.constant 0 : i32
    %dma_start3A_138 = tpu.memref_slice %arg4[%add3A_131, %dma_start3A_136, %dma_start3A_137] : memref<4096x77x512xf32, #tpu.memory_space<hbm>> -> memref<1x77x512xf32, #tpu.memory_space<hbm>>
    %dma_start3A_139 = tpu.memref_squeeze %dma_start3A_138 : memref<1x77x512xf32, #tpu.memory_space<hbm>> -> memref<77x512xf32, #tpu.memory_space<hbm>>
    tpu.enqueue_dma source(%arg10 : memref<77x512xf32, #tpu.memory_space<vmem>>) target(%dma_start3A_139 : memref<77x512xf32, #tpu.memory_space<hbm>>) target_semaphore(%arg19 : memref<!tpu.dma_semaphore, #tpu.memory_space<semaphore_mem>>)
    %add3A_140 = arith.constant 125 : i32
    %add3A_141 = arith.addi %mul3A_2, %add3A_140 : i32
    %dma_wait3A_142 = arith.constant 0 : i32
    %dma_wait3A_143 = arith.constant 0 : i32
    %dma_wait3A_144 = tpu.memref_slice %arg4[%add3A_141, %dma_wait3A_142, %dma_wait3A_143] : memref<4096x77x512xf32, #tpu.memory_space<hbm>> -> memref<1x77x512xf32, #tpu.memory_space<hbm>>
    %dma_wait3A_145 = tpu.memref_squeeze %dma_wait3A_144 : memref<1x77x512xf32, #tpu.memory_space<hbm>> -> memref<77x512xf32, #tpu.memory_space<hbm>>
    %dma_wait3A_146 = arith.constant 0 : i32
    %dma_wait3A_147 = arith.constant 0 : i32
    %dma_wait3A_148 = tpu.memref_slice %arg4[%add3A_141, %dma_wait3A_146, %dma_wait3A_147] : memref<4096x77x512xf32, #tpu.memory_space<hbm>> -> memref<1x77x512xf32, #tpu.memory_space<hbm>>
    %dma_wait3A_149 = tpu.memref_squeeze %dma_wait3A_148 : memref<1x77x512xf32, #tpu.memory_space<hbm>> -> memref<77x512xf32, #tpu.memory_space<hbm>>
    tpu.wait_dma2 semaphore(%arg19 : memref<!tpu.dma_semaphore, #tpu.memory_space<semaphore_mem>>) src(%arg10 : memref<77x512xf32, #tpu.memory_space<vmem>>) dst(%dma_wait3A_149 : memref<77x512xf32, #tpu.memory_space<hbm>>)
    %dma_wait3A_150 = arith.constant 0 : i32
    %dma_wait3A_151 = arith.constant 0 : i32
    %dma_wait3A_152 = tpu.memref_slice %arg3[%dma_wait3A_150, %dma_wait3A_151] : memref<49412x512xf32, #tpu.memory_space<hbm>> -> memref<49412x512xf32, #tpu.memory_space<hbm>>
    tpu.wait_indirect_dma semaphore(%arg14 : memref<!tpu.dma_semaphore, #tpu.memory_space<semaphore_mem>>) src(%dma_wait3A_152 : memref<49412x512xf32, #tpu.memory_space<hbm>>) dst(%arg8 : memref<77x512xf32, #tpu.memory_space<vmem>>)
    %add3A_153 = arith.constant 126 : i32
    %add3A_154 = arith.addi %mul3A_2, %add3A_153 : i32
    %dma_start3A_155 = arith.constant 0 : i32
    %dma_start3A_156 = arith.constant 0 : i32
    %dma_start3A_157 = tpu.memref_slice %arg4[%add3A_154, %dma_start3A_155, %dma_start3A_156] : memref<4096x77x512xf32, #tpu.memory_space<hbm>> -> memref<1x77x512xf32, #tpu.memory_space<hbm>>
    %dma_start3A_158 = tpu.memref_squeeze %dma_start3A_157 : memref<1x77x512xf32, #tpu.memory_space<hbm>> -> memref<77x512xf32, #tpu.memory_space<hbm>>
    %dma_start3A_159 = arith.constant 0 : i32
    %dma_start3A_160 = arith.constant 0 : i32
    %dma_start3A_161 = tpu.memref_slice %arg4[%add3A_154, %dma_start3A_159, %dma_start3A_160] : memref<4096x77x512xf32, #tpu.memory_space<hbm>> -> memref<1x77x512xf32, #tpu.memory_space<hbm>>
    %dma_start3A_162 = tpu.memref_squeeze %dma_start3A_161 : memref<1x77x512xf32, #tpu.memory_space<hbm>> -> memref<77x512xf32, #tpu.memory_space<hbm>>
    tpu.enqueue_dma source(%arg8 : memref<77x512xf32, #tpu.memory_space<vmem>>) target(%dma_start3A_162 : memref<77x512xf32, #tpu.memory_space<hbm>>) target_semaphore(%arg17 : memref<!tpu.dma_semaphore, #tpu.memory_space<semaphore_mem>>)
    %add3A_163 = arith.constant 126 : i32
    %add3A_164 = arith.addi %mul3A_2, %add3A_163 : i32
    %dma_wait3A_165 = arith.constant 0 : i32
    %dma_wait3A_166 = arith.constant 0 : i32
    %dma_wait3A_167 = tpu.memref_slice %arg4[%add3A_164, %dma_wait3A_165, %dma_wait3A_166] : memref<4096x77x512xf32, #tpu.memory_space<hbm>> -> memref<1x77x512xf32, #tpu.memory_space<hbm>>
    %dma_wait3A_168 = tpu.memref_squeeze %dma_wait3A_167 : memref<1x77x512xf32, #tpu.memory_space<hbm>> -> memref<77x512xf32, #tpu.memory_space<hbm>>
    %dma_wait3A_169 = arith.constant 0 : i32
    %dma_wait3A_170 = arith.constant 0 : i32
    %dma_wait3A_171 = tpu.memref_slice %arg4[%add3A_164, %dma_wait3A_169, %dma_wait3A_170] : memref<4096x77x512xf32, #tpu.memory_space<hbm>> -> memref<1x77x512xf32, #tpu.memory_space<hbm>>
    %dma_wait3A_172 = tpu.memref_squeeze %dma_wait3A_171 : memref<1x77x512xf32, #tpu.memory_space<hbm>> -> memref<77x512xf32, #tpu.memory_space<hbm>>
    tpu.wait_dma2 semaphore(%arg17 : memref<!tpu.dma_semaphore, #tpu.memory_space<semaphore_mem>>) src(%arg8 : memref<77x512xf32, #tpu.memory_space<vmem>>) dst(%dma_wait3A_172 : memref<77x512xf32, #tpu.memory_space<hbm>>)
    %dma_wait3A_173 = arith.constant 0 : i32
    %dma_wait3A_174 = arith.constant 0 : i32
    %dma_wait3A_175 = tpu.memref_slice %arg3[%dma_wait3A_173, %dma_wait3A_174] : memref<49412x512xf32, #tpu.memory_space<hbm>> -> memref<49412x512xf32, #tpu.memory_space<hbm>>
    tpu.wait_indirect_dma semaphore(%arg15 : memref<!tpu.dma_semaphore, #tpu.memory_space<semaphore_mem>>) src(%dma_wait3A_175 : memref<49412x512xf32, #tpu.memory_space<hbm>>) dst(%arg9 : memref<77x512xf32, #tpu.memory_space<vmem>>)
    %add3A_176 = arith.constant 127 : i32
    %add3A_177 = arith.addi %mul3A_2, %add3A_176 : i32
    %dma_start3A_178 = arith.constant 0 : i32
    %dma_start3A_179 = arith.constant 0 : i32
    %dma_start3A_180 = tpu.memref_slice %arg4[%add3A_177, %dma_start3A_178, %dma_start3A_179] : memref<4096x77x512xf32, #tpu.memory_space<hbm>> -> memref<1x77x512xf32, #tpu.memory_space<hbm>>
    %dma_start3A_181 = tpu.memref_squeeze %dma_start3A_180 : memref<1x77x512xf32, #tpu.memory_space<hbm>> -> memref<77x512xf32, #tpu.memory_space<hbm>>
    %dma_start3A_182 = arith.constant 0 : i32
    %dma_start3A_183 = arith.constant 0 : i32
    %dma_start3A_184 = tpu.memref_slice %arg4[%add3A_177, %dma_start3A_182, %dma_start3A_183] : memref<4096x77x512xf32, #tpu.memory_space<hbm>> -> memref<1x77x512xf32, #tpu.memory_space<hbm>>
    %dma_start3A_185 = tpu.memref_squeeze %dma_start3A_184 : memref<1x77x512xf32, #tpu.memory_space<hbm>> -> memref<77x512xf32, #tpu.memory_space<hbm>>
    tpu.enqueue_dma source(%arg9 : memref<77x512xf32, #tpu.memory_space<vmem>>) target(%dma_start3A_185 : memref<77x512xf32, #tpu.memory_space<hbm>>) target_semaphore(%arg18 : memref<!tpu.dma_semaphore, #tpu.memory_space<semaphore_mem>>)
    %add3A_186 = arith.constant 127 : i32
    %add3A_187 = arith.addi %mul3A_2, %add3A_186 : i32
    %dma_wait3A_188 = arith.constant 0 : i32
    %dma_wait3A_189 = arith.constant 0 : i32
    %dma_wait3A_190 = tpu.memref_slice %arg4[%add3A_187, %dma_wait3A_188, %dma_wait3A_189] : memref<4096x77x512xf32, #tpu.memory_space<hbm>> -> memref<1x77x512xf32, #tpu.memory_space<hbm>>
    %dma_wait3A_191 = tpu.memref_squeeze %dma_wait3A_190 : memref<1x77x512xf32, #tpu.memory_space<hbm>> -> memref<77x512xf32, #tpu.memory_space<hbm>>
    %dma_wait3A_192 = arith.constant 0 : i32
    %dma_wait3A_193 = arith.constant 0 : i32
    %dma_wait3A_194 = tpu.memref_slice %arg4[%add3A_187, %dma_wait3A_192, %dma_wait3A_193] : memref<4096x77x512xf32, #tpu.memory_space<hbm>> -> memref<1x77x512xf32, #tpu.memory_space<hbm>>
    %dma_wait3A_195 = tpu.memref_squeeze %dma_wait3A_194 : memref<1x77x512xf32, #tpu.memory_space<hbm>> -> memref<77x512xf32, #tpu.memory_space<hbm>>
    tpu.wait_dma2 semaphore(%arg18 : memref<!tpu.dma_semaphore, #tpu.memory_space<semaphore_mem>>) src(%arg9 : memref<77x512xf32, #tpu.memory_space<vmem>>) dst(%dma_wait3A_195 : memref<77x512xf32, #tpu.memory_space<hbm>>)
    return
  }
}

</mosaic_0001>

<sc_bundles>
// kernel: kernel.3.cloned.1.call-start
scs
__scs_entry_jumppad:
0x0: {  	(pc) =	sbr.rel $0x88, $3  }
0x1: {  	(tag) =	ssettag $0x0;
	lr =	simm.s32 $0x1  }
0x2: {  	[smem:$0x3F9E] =	sst lr;
	_ =	strace $0xD0000000  }
0x3: {  	_ = 	snop  }
0x4: {  	_ = 	snop  }
0x5: {  	_ = 	snop  }
0x6: {  	_ = 	snop  }
0x7: {  	_ = 	snop  }
__scs_overlays_trampoline_lowered:
0x8: {  	[smem:$0x3FAD] =	sst s0  }
0x9: {  	[smem:$0x3FAE] =	sst s1  }
0xa: {  	[smem:$0x3FAF] =	sst s2  }
0xb: {  	[smem:$0x3FB0] =	sst s3  }
0xc: {  	[smem:$0x3FB1] =	sst s4  }
0xd: {  	[smem:$0x3FB2] =	sst s5  }
0xe: {  	[smem:$0x3FB3] =	sst s6  }
0xf: {  	[smem:$0x3FB4] =	sst s7  }
0x10: {  	[smem:$0x3FB5] =	sst s8  }
0x11: {  	[smem:$0x3FB6] =	sst s9;
	s0 =	simm.s32 @!p0 $0x0  }
0x12: {  	s1 =	sld [smem:$0x3F9C];
	s0 =	simm.s32 @p0 $0x1  }
0x13: {  	[smem:$0x3FB7] =	sst s0;
	s0 =	simm.s32 @!p1 $0x0  }
0x14: {  	s2 =	sld [smem:$0x3F9B];
	s0 =	simm.s32 @p1 $0x1  }
0x15: {  	[smem:$0x3FB8] =	sst s0;
	s0 =	simm.s32 @!p2 $0x0  }
0x16: {  	s3 =	sld [smem:$0x3FDB];
	s0 =	simm.s32 @p2 $0x1  }
0x17: {  	s4 =	simm.s32 $0x1BF5;
	[smem:$0x3FBA] =	sst s0  }
0x18: {  	s0 =	sld [smem:$0x3F9D];
	_ =	swait.ge [sflag:s4], $0x0  }
0x19: {  	s7 =	sld [smem:$0x3F9E]  }
0x1a: {  	s8 =	sadd.s32 $0xFFFFE003, lr  }
0x1b: {  	s9 =	sadd.s32 $0xFFFFFEF7, lr;
	s5 =	simm.s32 $0xFFFFFFFF;
	p2 =	slt.u32 s8, $0xFFFFF086  }
0x1c: {  	p1 =	slt.u32 s9, $0xF7A;
	s5 =	simm.s32 @!p2 $0x0  }
0x1d: {  	s5 =	simm.s32 @p1 $0x1;
	p0 =	seq.s32 s7, s2  }
0x1e: {  	s7 =	smul.u32 @!p0 $0xF7A, s2;
	p2 =	seq.s32 @!p0 s5, $0x0  }
0x1f: {  	s9 =	smul.u32 $0xF7A, s1;
	s8 =	simm.s32 @!p0 $0x1BF5;
	p2 =	por !p2, p0  }
0x20: {  	[sflag:s8] =	ssyncset.s32 @!p0 $0xFFFFF086;
	s6 =	sadd.s32 @!p0 s3, s7;
	s7 =	simm.s32 @!p0 $0x108  }
0x21: {  	s3 =	sadd.s32 s3, s9;
	s6 =	sadd.s32 @!p0 $0x88, s6;
	s7 =	simm.s32 @p2 $0x1082  }
0x22: {  	[simem:s7], [sflag:s8] =	dma.local @!p0 [hbm:s6], $0xF7A  }
0x23: {  	s9 =	sor.u32 $0xD0000000, s2;
	s6 =	simm.s32 $0x108;
	_ =	swait.ge @!p0 [sflag:s8], $0x0  }
0x24: {  	s3 =	sadd.s32 $0x88, s3;
	s6 =	simm.s32 @!p1 $0x1082;
	[sflag:s4] =	ssyncset.s32 $0xFFFFF086  }
0x25: {  	[simem:s6], [sflag:s4] =	dma.local [hbm:s3], $0xF7A  }
0x26: {  	[smem:$0x3F9E] =	sst s1;
	(tag) =	ssettag s2;
	_ =	strace s9  }
0x27: {  	s1 =	sld [smem:$0x3FAE]  }
0x28: {  	s2 =	sld [smem:$0x3FAF]  }
0x29: {  	s4 =	sld [smem:$0x3FB1]  }
0x2a: {  	p0 =	seq.s32 s5, $0x0;
	s5 =	sld [smem:$0x3FB2]  }
0x2b: {  	s6 =	sld [smem:$0x3FB3]  }
0x2c: {  	s7 =	sld [smem:$0x3FB4]  }
0x2d: {  	s3 =	simm.s32 $0x108;
	s8 =	sld [smem:$0x3FB5]  }
0x2e: {  	s3 =	simm.s32 @!p0 $0x1082;
	s9 =	sld [smem:$0x3FB6]  }
0x2f: {  	lr =	sadd.s32 s0, s3;
	s0 =	sld [smem:$0x3FAD]  }
0x30: {  	s3 =	sld [smem:$0x3FB0]  }
0x31: {  	[smem:$0x3FB9] =	sst s10  }
0x32: {  	s10 =	sld [smem:$0x3FB7];
	_ =	sdelay $0x3  }
0x33: {  	p0 =	seq.s32 s10, $0x1;
	s10 =	sld [smem:$0x3FB9];
	_ =	sdelay $0x3  }
0x34: {  	[smem:$0x3FB9] =	sst s10  }
0x35: {  	s10 =	sld [smem:$0x3FB8];
	_ =	sdelay $0x3  }
0x36: {  	p1 =	seq.s32 s10, $0x1;
	s10 =	sld [smem:$0x3FB9];
	_ =	sdelay $0x3  }
0x37: {  	[smem:$0x3FB9] =	sst s10  }
0x38: {  	s10 =	sld [smem:$0x3FBA]  }
0x39: {  	_ = 	snop;
	(pc) =	sbr.ind lr, $3  }
0x3a: {  	_ = 	snop  }
0x3b: {  	_ = 	snop  }
0x3c: {  	p2 =	seq.s32 s10, $0x1;
	s10 =	sld [smem:$0x3FB9]  }
0x3d: {  	_ =	shalt  }
0x3e: {  	_ =	shalt  }
0x3f: {  	_ =	shalt  }
0x40: {  	_ =	shalt  }
0x41: {  	_ =	shalt  }
0x42: {  	_ =	shalt  }
0x43: {  	_ =	shalt  }
0x44: {  	_ =	shalt  }
0x45: {  	_ =	shalt  }
0x46: {  	_ =	shalt  }
0x47: {  	_ =	shalt  }
0x48: {  	_ =	shalt  }
0x49: {  	_ =	shalt  }
0x4a: {  	_ =	shalt  }
0x4b: {  	_ =	shalt  }
0x4c: {  	_ =	shalt  }
0x4d: {  	_ =	shalt  }
0x4e: {  	_ =	shalt  }
0x4f: {  	_ =	shalt  }
0x50: {  	_ =	shalt  }
0x51: {  	_ =	shalt  }
0x52: {  	_ =	shalt  }
0x53: {  	_ =	shalt  }
0x54: {  	_ =	shalt  }
0x55: {  	_ =	shalt  }
0x56: {  	_ =	shalt  }
0x57: {  	_ =	shalt  }
0x58: {  	_ =	shalt  }
0x59: {  	_ =	shalt  }
0x5a: {  	_ =	shalt  }
0x5b: {  	_ =	shalt  }
0x5c: {  	_ =	shalt  }
0x5d: {  	_ =	shalt  }
0x5e: {  	_ =	shalt  }
0x5f: {  	_ =	shalt  }
0x60: {  	_ =	shalt  }
0x61: {  	_ =	shalt  }
0x62: {  	_ =	shalt  }
0x63: {  	_ =	shalt  }
0x64: {  	_ =	shalt  }
0x65: {  	_ =	shalt  }
0x66: {  	_ =	shalt  }
0x67: {  	_ =	shalt  }
0x68: {  	_ =	shalt  }
0x69: {  	_ =	shalt  }
0x6a: {  	_ =	shalt  }
0x6b: {  	_ =	shalt  }
0x6c: {  	_ =	shalt  }
0x6d: {  	_ =	shalt  }
0x6e: {  	_ =	shalt  }
0x6f: {  	_ =	shalt  }
0x70: {  	_ =	shalt  }
0x71: {  	_ =	shalt  }
0x72: {  	_ =	shalt  }
0x73: {  	_ =	shalt  }
0x74: {  	_ =	shalt  }
0x75: {  	_ =	shalt  }
0x76: {  	_ =	shalt  }
0x77: {  	_ =	shalt  }
0x78: {  	_ =	shalt  }
0x79: {  	_ =	shalt  }
0x7a: {  	_ =	shalt  }
0x7b: {  	_ =	shalt  }
0x7c: {  	_ =	shalt  }
0x7d: {  	_ =	shalt  }
0x7e: {  	_ =	shalt  }
0x7f: {  	_ =	shalt  }
0x80: {  	_ =	shalt  }
0x81: {  	_ =	shalt  }
0x82: {  	_ =	shalt  }
0x83: {  	_ =	shalt  }
0x84: {  	_ =	shalt  }
0x85: {  	_ =	shalt  }
0x86: {  	_ =	shalt  }
0x87: {  	_ =	shalt  }
.Lfunc_end0:
.L_simem_size_0:
called_computation.1_lowered:
.L_overlay_start_0:
0x88: {  	s2 =	sld [smem:$0x3FD9]  }
0x89: {  	s3 =	sld [smem:$0x3FFE];
	_ =	sdelay $0x1  }
0x8a: {  	s1 =	srdreg.scid  }
0x8b: {  	s0 =	sand.u32 $0x1, s1  }
0x8c: {  	s14 =	sshll.u32 s0, $0xA;
	s2 =	sadd.s32 s3, s2  }
0x8d: {  	s2 =	sadd.s32 s2, s14  }
0x8e: {  	[smem:$0x3FC5] =	sst s2  }
0x8f: {  	_ = 	snop  }
0x90: {  	s2 =	sld [smem:$0x3FD0];
	_ =	sdelay $0x2  }
0x91: {  	s15 =	simm.s32 $0xA;
	s4 =	simm.s32 $0x10  }
0x92: {  	[smem:s4], [sflag:s15] =	dma.local [hbm:s2], $0x1  }
0x93: {  	_ =	swait.eq [sflag:s15], $0x1  }
0x94: {  	[sflag:s15] =	ssyncset.done $0x0  }
0x95: {  	s16 =	sld [smem:$0x10];
	[sflag:s15] =	ssyncadd.s32 $0xFFFFFFFF  }
0x96: {  	s17 =	sld [smem:$0x11];
	(tm) =	ssettm $0x1  }
0x97: {  	s18 =	sld [smem:$0x3FFB];
	_ =	sdelay $0x3  }
0x98: {  	_ =	strace s18  }
0x99: {  	s4 =	sld [smem:$0x3FFC];
	_ =	sdelay $0x3  }
0x9a: {  	_ =	strace s4  }
0x9b: {  	s4 =	sld [smem:$0x3FFD];
	_ =	sdelay $0x3  }
0x9c: {  	_ =	strace s4  }
0x9d: {  	_ =	strace $0x8FFFFFFF  }
0x9e: {  	s19 =	sld [smem:$0x3FDB];
	_ =	sdelay $0x1  }
0x9f: {  	s5 =	simm.s32 $_scs_section_size  }
0xa0: {  	s6 =	simm.s32 $_size__tile_overlayer_lowered;
	s7 =	simm.s32 $_tile_overlayer_lowered  }
0xa1: {  	s22 =	simm.s32 $0x1BFF;
	s21 =	sshll.u32 s7, $0x1;
	s4 =	sadd.s32 s5, s19  }
0xa2: {  	s8 =	simm.s32 $0x0;
	s20 =	sshll.u32 s6, $0x1;
	s6 =	sadd.s32 s21, s4  }
0xa3: {  	[timem:s8], [sflag:s22] =	dma.local [hbm:s6], s20  }
0xa4: {  	_ =	swait.ge [sflag:s22], s20  }
0xa5: {  	s5 =	ssub.s32 $0x0, s20;
	[sflag:s22] =	ssyncset.done $0x0  }
0xa6: {  	[sflag:s22] =	ssyncadd.s32 s5;
	_ =	sdelay $0x1  }
0xa7: {  	s23 =	simm.s32 $0x1B8B  }
0xa8: {  	_ =	swait.ge [sflag:s23], $0x1  }
0xa9: {  	[sflag:s23] =	ssyncset.done $0x0  }
0xaa: {  	s25 =	simm.s32 $0x1B8E;
	s24 =	sld [smem:$0x3FFE];
	[sflag:s23] =	ssyncadd.s32 $0xFFFFFFFF  }
0xab: {  	s26 =	simm.s32 $execute0_lowered;
	[smem:$0x3FD2] =	sst s25  }
0xac: {  	s6 =	sshll.u32 s26, $0x1;
	_ =	strace $0x80000046;
	[dreg:$0x1] =	wrdreg $0xFFFFFFFF  }
0xad: {  	s28 =	simm.s32 $_size_execute0_lowered;
	s4 =	sadd.s32 s4, s6;
	[dreg:$0x0] =	wrdreg $0x0  }
0xae: {  	s6 =	sshll.u32 s28, $0x1;
	[dreg:$0x2] =	wrdreg s4  }
0xaf: {  	[dreg:$0x3] =	wrdreg s6  }
0xb0: {  	[dreg:$0x4] =	wrdreg $0xC0  }
0xb1: {  	_ =	task [dreg:s8], $0x5FFFF  }
0xb2: {  	[dreg:$0x1] =	wrdreg $0xFFFFFFFF  }
0xb3: {  	[dreg:$0x0] =	wrdreg $0x60  }
0xb4: {  	[dreg:$0x2] =	wrdreg s17  }
0xb5: {  	[dreg:$0x3] =	wrdreg s24  }
0xb6: {  	[dreg:$0x4] =	wrdreg s16  }
0xb7: {  	[dreg:$0x5] =	wrdreg $0x9  }
0xb8: {  	_ =	task.clear_ibuf [dreg:s8], $0x6FFFF;
	_ =	strace $0x90000046  }
0xb9: {  	s29 =	simm.s32 $0x9;
	_ =	strace $0x80000048  }
0xba: {  	_ =	swait.ge [sflag:s29], $0x1  }
0xbb: {  	[sflag:s29] =	ssyncadd.s32 $0xFFFFFFFF  }
0xbc: {  	_ =	strace $0x90000048  }
0xbd: {  	_ =	sfence  }
0xbe: {  	s30 =	sld [smem:$0x0];
	_ =	sdelay $0x2  }
0xbf: {  	s31 =	sshll.u32 s1, $0xD;
	s1 =	sshrl.u32 s1, $0x2  }
0xc0: {  	s3 =	sand.u32 $0x4000, s31;
	s1 =	sadd.s32 s1, s30  }
0xc1: {  	s0 =	sor.u32 s3, s0;
	s1 =	sshll.u32 s1, $0x11  }
0xc2: {  	s0 =	sor.u32 s1, s0  }
0xc3: {  	s0 =	sadd.s32 $0x8F2B, s0  }
0xc4: {  	[sflag:s0] =	ssyncadd.remote.s32 $0x1  }
0xc5: {  	_ =	sfence.sel $0xFFFF  }
0xc6: {  	[dreg:$0x0] =	wrdreg $0xFFFFFFFF;
	(pc) =	sbr.abs _section_cstart, $3  }
0xc7: {  	[dreg:$0x1] =	wrdreg $0xFFFFFFFF  }
0xc8: {  	_ =	task.clear_ibuf [dreg:s8], $0x2FFFF;
	_ =	strace $0x9FFFFFFF  }
0xc9: {  	(tm) =	ssettm $0x7FFFFFFF  }
tec
execute0_lowered:
.L_overlay_start_1:
0x0: {  	(tag) =	ssettag $0x1  }
0x1: {  	s0 =	rddreg [dreg:$0x0]  }
0x2: {  	s1 =	rddreg [dreg:$0x1]  }
0x3: {  	s5 =	rddreg [dreg:$0x2]  }
0x4: {  	s3 =	srdreg.scid;
	s11 =	stileid.u32;
	s2 =	simm.s32 $0x0  }
0x5: {  	s17 =	simm.s32 $0x50;
	s18 =	simm.s32 $0xA0;
	s15 =	smul.u32 $0xA00, s11  }
0x6: {  	s28 =	simm.s32 $0x7;
	s6 =	sand.u32 $0x1, s3;
	s14 =	smul.u32 $0x134000, s11  }
0x7: {  	s29 =	simm.s32 $0x5;
	s19 =	sshll.u32 s11, $0x1;
	s16 =	smul.u32 $0x9A000, s6  }
0x8: {  	s4 =	ssub.s32 $0x2, s6;
	s7 =	sor.u32 s6, s19;
	s6 =	smul.u32 $0x500, s6  }
0x9: {  	s30 =	simm.s32 $0x8;
	s31 =	simm.s32 $0x6;
	s9 =	smul.u32 $0x500, s7  }
0xa: {  	[smem:$0x7FF] =	sst s2;
	s3 =	sadd.s32 $0x1000, s1;
	s21 =	smul.u32 $0x9A000, s7  }
0xb: {  	s1 =	simm.s32 $0x0;
	s22 =	smul.u32 $0x4D0000, s7;
	s7 =	sshllo.u32 s7, $0x7  }
0xc: {  	_ =	strace $0x80000047;
	s8 =	sshrl.u32 s4, $0x1;
	s24 =	smul.u32 $0xA, s7  }
0xd: {  	s19 =	simm.s32 $0x1;
	s20 =	ssub.s32 s4, s8;
	s7 =	smul.u32 $0x1340, s7  }
0xe: {  	s4 =	sadd.s32 s0, s9;
	s8 =	sadd.s32 s5, s21;
	s9 =	sshrl.u32 s22, $0x3  }
0xf: {  	s21 =	simm.s32 $0xF0;
	s22 =	simm.s32 $0x2;
	s10 =	sadd.s32 $0xA, s4  }
0x10: {  	s23 =	sadd.s32 $0x14, s4;
	[dreg:$0x6] =	wrdreg s8;
	s25 =	sadd.s32 $0x1E, s4  }
0x11: {  	s12 =	sadd.s32 s5, s9;
	s13 =	sadd.s32 s5, s7;
	[dreg:$0x4] =	wrdreg s10  }
0x12: {  	s5 =	sadd.s32 s14, s5;
	s14 =	smax.u32 s20, $0x1;
	[dreg:$0x5] =	wrdreg s23  }
0x13: {  	s20 =	simm.s32 $0x4D;
	[dreg:$0x7] =	wrdreg s25;
	s9 =	sadd.s32 $0x95300, s12  }
0x14: {  	s10 =	sadd.s32 s0, s24;
	s11 =	sadd.s32 $0x96640, s12;
	s12 =	sadd.s32 $0x97980, s12  }
0x15: {  	s0 =	sadd.s32 s15, s0;
	s26 =	sadd.s32 s16, s5;
	s23 =	simm.s32 $0x9AF0  }
0x16: {  	s24 =	simm.s32 $0x3;
	s25 =	simm.s32 $0x134F0;
	s15 =	sadd.s32 s6, s0  }
0x17: {  	s16 =	sadd.s32 $0x2680, s26;
	s26 =	simm.s32 $0x4;
	s0 =	simm.s32 $0x9  }
.LBB2_1:
0x18: {  	[tilespmem:s2], [sflag:$0x1] =	stream.linear.gather [hbm4b:s4+s2], $0x4D, $0x38;
	[tilespmem:$0x1CEF0] =	vst v63  }
0x19: {  	s5 =	rddreg [dreg:$0x4]  }
0x1a: {  	[tilespmem:s17], [sflag:$0x2] =	stream.linear.gather [hbm4b:s5+s2], $0x4D, $0x38;
	[tilespmem:$0x1CEF0] =	vst v63  }
0x1b: {  	s7 =	rddreg [dreg:$0x5]  }
0x1c: {  	[tilespmem:s18], [sflag:$0x3] =	stream.linear.gather [hbm4b:s7+s2], $0x4D, $0x38;
	[tilespmem:$0x1CEF0] =	vst v63  }
0x1d: {  	_ =	swait.ge [sflag:s19], $0x4D  }
0x1e: {  	[sflag:s19] =	ssyncset.done $0x0  }
0x1f: {  	[sflag:s19] =	ssyncadd.s32 $0xFFFFFFB3  }
0x20: {  	[tilespmem:s21], [sflag:$0x4] =	stream.indirect.gather [hbm4b:s3+s20], $0x200, s2, s20, $0xb8;
	[tilespmem:$0x1CEF0] =	vst v63  }
0x21: {  	_ =	swait.ge [sflag:s22], $0x4D  }
0x22: {  	[sflag:s22] =	ssyncset.done $0x0  }
0x23: {  	[sflag:s22] =	ssyncadd.s32 $0xFFFFFFB3  }
0x24: {  	[tilespmem:s23], [sflag:$0x5] =	stream.indirect.gather [hbm4b:s3+s20], $0x200, s17, s20, $0xb8;
	[tilespmem:$0x1CEF0] =	vst v63  }
0x25: {  	_ =	swait.ge [sflag:s24], $0x4D  }
0x26: {  	[sflag:s24] =	ssyncset.done $0x0  }
0x27: {  	[sflag:s24] =	ssyncadd.s32 $0xFFFFFFB3  }
0x28: {  	[tilespmem:s25], [sflag:$0x6] =	stream.indirect.gather [hbm4b:s3+s20], $0x200, s18, s20, $0xb8;
	[tilespmem:$0x1CEF0] =	vst v63  }
0x29: {  	_ =	swait.ge [sflag:s26], $0x9A00  }
0x2a: {  	[sflag:s26] =	ssyncset.done $0x0  }
0x2b: {  	s8 =	rddreg [dreg:$0x6];
	[sflag:s26] =	ssyncadd.s32 $0xFFFF6600  }
0x2c: {  	[hbm4b:s8+s2] =	stream.linear.scatter [tilespmem:s21], [sflag:$0x7], $0x9A00, $0x38;
	[tilespmem:$0x1CEF0] =	vst v63  }
0x2d: {  	s6 =	rddreg [dreg:$0x7]  }
0x2e: {  	[tilespmem:s2], [sflag:$0x1] =	stream.linear.gather [hbm4b:s6+s2], $0x4D, $0x38;
	[tilespmem:$0x1CEF0] =	vst v63  }
0x2f: {  	_ =	swait.ge [sflag:s28], $0x9A00  }
0x30: {  	[sflag:s28] =	ssyncset.done $0x0  }
0x31: {  	[sflag:s28] =	ssyncadd.s32 $0xFFFF6600  }
0x32: {  	_ =	swait.ge [sflag:s19], $0x4D  }
0x33: {  	[sflag:s19] =	ssyncset.done $0x0  }
0x34: {  	[sflag:s19] =	ssyncadd.s32 $0xFFFFFFB3  }
0x35: {  	[tilespmem:s21], [sflag:$0x4] =	stream.indirect.gather [hbm4b:s3+s20], $0x200, s2, s20, $0xb8;
	[tilespmem:$0x1CEF0] =	vst v63  }
0x36: {  	_ =	swait.ge [sflag:s29], $0x9A00  }
0x37: {  	[sflag:s29] =	ssyncset.done $0x0  }
0x38: {  	s7 =	sadd.s32 $0xFFFFECC0, s16;
	s6 =	sadd.s32 $0x0, s15;
	[sflag:s29] =	ssyncadd.s32 $0xFFFF6600  }
0x39: {  	[hbm4b:s7+s2] =	stream.linear.scatter [tilespmem:s23], [sflag:$0x8], $0x9A00, $0x38;
	[tilespmem:$0x1CEF0] =	vst v63  }
0x3a: {  	s8 =	sadd.s32 $0x28, s6  }
0x3b: {  	[tilespmem:s17], [sflag:$0x2] =	stream.linear.gather [hbm4b:s8+s2], $0x4D, $0x38;
	[tilespmem:$0x1CEF0] =	vst v63  }
0x3c: {  	_ =	swait.ge [sflag:s30], $0x9A00  }
0x3d: {  	[sflag:s30] =	ssyncset.done $0x0  }
0x3e: {  	[sflag:s30] =	ssyncadd.s32 $0xFFFF6600  }
0x3f: {  	_ =	swait.ge [sflag:s22], $0x4D  }
0x40: {  	[sflag:s22] =	ssyncset.done $0x0  }
0x41: {  	[sflag:s22] =	ssyncadd.s32 $0xFFFFFFB3  }
0x42: {  	[tilespmem:s23], [sflag:$0x5] =	stream.indirect.gather [hbm4b:s3+s20], $0x200, s17, s20, $0xb8;
	[tilespmem:$0x1CEF0] =	vst v63  }
0x43: {  	_ =	swait.ge [sflag:s31], $0x9A00  }
0x44: {  	[sflag:s31] =	ssyncset.done $0x0  }
0x45: {  	[sflag:s31] =	ssyncadd.s32 $0xFFFF6600  }
0x46: {  	[hbm4b:s16+s2] =	stream.linear.scatter [tilespmem:s25], [sflag:$0x9], $0x9A00, $0x38;
	[tilespmem:$0x1CEF0] =	vst v63  }
0x47: {  	s7 =	sadd.s32 $0x32, s6  }
0x48: {  	[tilespmem:s18], [sflag:$0x3] =	stream.linear.gather [hbm4b:s7+s2], $0x4D, $0x38;
	[tilespmem:$0x1CEF0] =	vst v63  }
0x49: {  	_ =	swait.ge [sflag:s0], $0x9A00  }
0x4a: {  	[sflag:s0] =	ssyncset.done $0x0  }
0x4b: {  	[sflag:s0] =	ssyncadd.s32 $0xFFFF6600  }
0x4c: {  	_ =	swait.ge [sflag:s24], $0x4D  }
0x4d: {  	[sflag:s24] =	ssyncset.done $0x0  }
0x4e: {  	[sflag:s24] =	ssyncadd.s32 $0xFFFFFFB3  }
0x4f: {  	[tilespmem:s25], [sflag:$0x6] =	stream.indirect.gather [hbm4b:s3+s20], $0x200, s18, s20, $0xb8;
	[tilespmem:$0x1CEF0] =	vst v63  }
0x50: {  	_ =	swait.ge [sflag:s26], $0x9A00  }
0x51: {  	s5 =	simm.s32 $0x1E;
	s8 =	sadd.s32 $0x1340, s16;
	[sflag:s26] =	ssyncset.done $0x0  }
0x52: {  	s7 =	sadd.s32 $0x3C, s6;
	s6 =	sadd.s32 $0x39C0, s16;
	[sflag:s26] =	ssyncadd.s32 $0xFFFF6600  }
0x53: {  	[hbm4b:s8+s2] =	stream.linear.scatter [tilespmem:s21], [sflag:$0x7], $0x9A00, $0x38;
	[tilespmem:$0x1CEF0] =	vst v63  }
.LBB2_2:
0x54: {  	[tilespmem:s2], [sflag:$0x1] =	stream.linear.gather [hbm4b:s7+s2], $0x4D, $0x38;
	[tilespmem:$0x1CEF0] =	vst v63  }
0x55: {  	s7 =	smov.u32 s5  }
0x56: {  	p0 =	sne.s32 s5, $0x4B0;
	s5 =	sadd.s32 $0x1E, s5;
	_ =	swait.ge [sflag:s28], $0x9A00  }
0x57: {  	[sflag:s28] =	ssyncset.done $0x0  }
0x58: {  	[sflag:s28] =	ssyncadd.s32 $0xFFFF6600  }
0x59: {  	_ =	swait.ge [sflag:s19], $0x4D  }
0x5a: {  	[sflag:s19] =	ssyncset.done $0x0  }
0x5b: {  	[sflag:s19] =	ssyncadd.s32 $0xFFFFFFB3  }
0x5c: {  	[tilespmem:s21], [sflag:$0x4] =	stream.indirect.gather [hbm4b:s3+s20], $0x200, s2, s20, $0xb8;
	[tilespmem:$0x1CEF0] =	vst v63  }
0x5d: {  	_ =	swait.ge [sflag:s29], $0x9A00  }
0x5e: {  	[sflag:s29] =	ssyncset.done $0x0  }
0x5f: {  	s8 =	sadd.s32 $0xFFFFECC0, s6;
	s7 =	sadd.s32 s7, s15;
	[sflag:s29] =	ssyncadd.s32 $0xFFFF6600  }
0x60: {  	[hbm4b:s8+s2] =	stream.linear.scatter [tilespmem:s23], [sflag:$0x8], $0x9A00, $0x38;
	[tilespmem:$0x1CEF0] =	vst v63  }
0x61: {  	s8 =	sadd.s32 $0x28, s7  }
0x62: {  	[tilespmem:s17], [sflag:$0x2] =	stream.linear.gather [hbm4b:s8+s2], $0x4D, $0x38;
	[tilespmem:$0x1CEF0] =	vst v63  }
0x63: {  	_ =	swait.ge [sflag:s30], $0x9A00  }
0x64: {  	[sflag:s30] =	ssyncset.done $0x0  }
0x65: {  	[sflag:s30] =	ssyncadd.s32 $0xFFFF6600  }
0x66: {  	_ =	swait.ge [sflag:s22], $0x4D  }
0x67: {  	[sflag:s22] =	ssyncset.done $0x0  }
0x68: {  	[sflag:s22] =	ssyncadd.s32 $0xFFFFFFB3  }
0x69: {  	[tilespmem:s23], [sflag:$0x5] =	stream.indirect.gather [hbm4b:s3+s20], $0x200, s17, s20, $0xb8;
	[tilespmem:$0x1CEF0] =	vst v63  }
0x6a: {  	_ =	swait.ge [sflag:s31], $0x9A00  }
0x6b: {  	[sflag:s31] =	ssyncset.done $0x0  }
0x6c: {  	[sflag:s31] =	ssyncadd.s32 $0xFFFF6600  }
0x6d: {  	[hbm4b:s6+s2] =	stream.linear.scatter [tilespmem:s25], [sflag:$0x9], $0x9A00, $0x38;
	[tilespmem:$0x1CEF0] =	vst v63  }
0x6e: {  	s8 =	sadd.s32 $0x32, s7  }
0x6f: {  	[tilespmem:s18], [sflag:$0x3] =	stream.linear.gather [hbm4b:s8+s2], $0x4D, $0x38;
	[tilespmem:$0x1CEF0] =	vst v63  }
0x70: {  	_ =	swait.ge [sflag:s0], $0x9A00  }
0x71: {  	[sflag:s0] =	ssyncset.done $0x0  }
0x72: {  	[sflag:s0] =	ssyncadd.s32 $0xFFFF6600  }
0x73: {  	_ =	swait.ge [sflag:s24], $0x4D  }
0x74: {  	[sflag:s24] =	ssyncset.done $0x0  }
0x75: {  	[sflag:s24] =	ssyncadd.s32 $0xFFFFFFB3  }
0x76: {  	[tilespmem:s25], [sflag:$0x6] =	stream.indirect.gather [hbm4b:s3+s20], $0x200, s18, s20, $0xb8;
	[tilespmem:$0x1CEF0] =	vst v63  }
.Ltmp0:
0x77: {  	_ =	swait.ge [sflag:s26], $0x9A00;
	(pc) =	sbr.rel @p0 .LBB2_2-.Ltmp0, $4  }
0x78: {  	[sflag:s26] =	ssyncset.done $0x0  }
0x79: {  	s8 =	sadd.s32 $0x1340, s6;
	[sflag:s26] =	ssyncadd.s32 $0xFFFF6600  }
0x7a: {  	[hbm4b:s8+s2] =	stream.linear.scatter [tilespmem:s21], [sflag:$0x7], $0x9A00, $0x38;
	[tilespmem:$0x1CEF0] =	vst v63  }
0x7b: {  	s7 =	sadd.s32 $0x3C, s7;
	s6 =	sadd.s32 $0x39C0, s6  }
0x7c: {  	[tilespmem:s2], [sflag:$0x1] =	stream.linear.gather [hbm4b:s7+s2], $0x4D, $0x38;
	[tilespmem:$0x1CEF0] =	vst v63  }
0x7d: {  	_ =	swait.ge [sflag:s28], $0x9A00  }
0x7e: {  	[sflag:s28] =	ssyncset.done $0x0  }
0x7f: {  	[sflag:s28] =	ssyncadd.s32 $0xFFFF6600  }
0x80: {  	_ =	swait.ge [sflag:s19], $0x4D  }
0x81: {  	[sflag:s19] =	ssyncset.done $0x0  }
0x82: {  	[sflag:s19] =	ssyncadd.s32 $0xFFFFFFB3  }
0x83: {  	[tilespmem:s21], [sflag:$0x4] =	stream.indirect.gather [hbm4b:s3+s20], $0x200, s2, s20, $0xb8;
	[tilespmem:$0x1CEF0] =	vst v63  }
0x84: {  	_ =	swait.ge [sflag:s29], $0x9A00  }
0x85: {  	[sflag:s29] =	ssyncset.done $0x0  }
0x86: {  	[sflag:s29] =	ssyncadd.s32 $0xFFFF6600  }
0x87: {  	[hbm4b:s9+s2] =	stream.linear.scatter [tilespmem:s23], [sflag:$0x8], $0x9A00, $0x38;
	[tilespmem:$0x1CEF0] =	vst v63  }
0x88: {  	_ = 	snop  }
0x89: {  	[tilespmem:s17], [sflag:$0x2] =	stream.linear.gather [hbm4b:s10+s2], $0x4D, $0x38;
	[tilespmem:$0x1CEF0] =	vst v63  }
0x8a: {  	_ =	swait.ge [sflag:s30], $0x9A00  }
0x8b: {  	[sflag:s30] =	ssyncset.done $0x0  }
0x8c: {  	[sflag:s30] =	ssyncadd.s32 $0xFFFF6600  }
0x8d: {  	_ =	swait.ge [sflag:s22], $0x4D  }
0x8e: {  	[sflag:s22] =	ssyncset.done $0x0  }
0x8f: {  	[sflag:s22] =	ssyncadd.s32 $0xFFFFFFB3  }
0x90: {  	[tilespmem:s23], [sflag:$0x5] =	stream.indirect.gather [hbm4b:s3+s20], $0x200, s17, s20, $0xb8;
	[tilespmem:$0x1CEF0] =	vst v63  }
0x91: {  	_ =	swait.ge [sflag:s31], $0x9A00  }
0x92: {  	[sflag:s31] =	ssyncset.done $0x0  }
0x93: {  	[sflag:s31] =	ssyncadd.s32 $0xFFFF6600  }
0x94: {  	[hbm4b:s11+s2] =	stream.linear.scatter [tilespmem:s25], [sflag:$0x9], $0x9A00, $0x38;
	[tilespmem:$0x1CEF0] =	vst v63  }
0x95: {  	_ =	swait.ge [sflag:s0], $0x9A00  }
0x96: {  	[sflag:s0] =	ssyncset.done $0x0  }
0x97: {  	[sflag:s0] =	ssyncadd.s32 $0xFFFF6600  }
0x98: {  	_ =	swait.ge [sflag:s26], $0x9A00  }
0x99: {  	[sflag:s26] =	ssyncset.done $0x0  }
0x9a: {  	[sflag:s26] =	ssyncadd.s32 $0xFFFF6600  }
0x9b: {  	[hbm4b:s12+s2] =	stream.linear.scatter [tilespmem:s21], [sflag:$0x7], $0x9A00, $0x38;
	[tilespmem:$0x1CEF0] =	vst v63  }
0x9c: {  	_ =	swait.ge [sflag:s28], $0x9A00  }
0x9d: {  	[sflag:s28] =	ssyncset.done $0x0  }
0x9e: {  	[sflag:s28] =	ssyncadd.s32 $0xFFFF6600  }
0x9f: {  	s1 =	sadd.s32 $0x1, s1;
	_ =	swait.ge [sflag:s29], $0x9A00  }
0xa0: {  	p0 =	sne.s32 s1, s14;
	[sflag:s29] =	ssyncset.done $0x0  }
.Ltmp1:
0xa1: {  	[sflag:s29] =	ssyncadd.s32 $0xFFFF6600;
	(pc) =	sbr.rel @p0 .LBB2_1-.Ltmp1, $4  }
0xa2: {  	[hbm4b:s13+s2] =	stream.linear.scatter [tilespmem:s23], [sflag:$0x8], $0x9A00, $0x38;
	[tilespmem:$0x1CEF0] =	vst v63  }
0xa3: {  	_ =	swait.ge [sflag:s30], $0x9A00  }
0xa4: {  	[sflag:s30] =	ssyncset.done $0x0  }
0xa5: {  	[sflag:s30] =	ssyncadd.s32 $0xFFFF6600  }
0xa6: {  	_ =	sfence.sel $0x180000  }
0xa7: {  	[bflag:$0x0] =	sbarrier.arrive $0xFFFF  }
0xa8: {  	_ =	strace $0x90000047  }
0xa9: {  	s0 =	stileid.u32;
	[bflag:$0x2] =	sbarrier.arrive $0xFFFF  }
0xaa: {  	p0 =	sne.s32 s0, $0x0;
	s0 =	rddreg [dreg:$0x3]  }
0xab: {  	s0 =	sadd.s32 @!p0 $0x100000, s0  }
0xac: {  	[sflag:s0] =	ssyncadd.tile.s32 @!p0 $0x1;
	_ =	shalt  }
.Lfunc_end2:
_tile_overlayer_lowered:
.L_overlay_start_2:
0xad: {  	(tag) =	ssettag $0x2  }
0xae: {  	s0 =	rddreg [dreg:$0x0];
	s2 =	stileid.u32  }
0xaf: {  	s1 =	rddreg [dreg:$0x1];
	p0 =	sne.s32 s2, $0x0  }
0xb0: {  	s3 =	rddreg [dreg:$0x2];
	[bflag:$0x3] =	sbarrier.arrive $0xFFFF;
	s2 =	simm.s32 @!p0 $0x1C0A  }
0xb1: {  	[timem:s3], [sflag:s2] =	dma.local @!p0 [hbm:s0], s1  }
0xb2: {  	s0 =	simm.s32 @!p0 $0xA  }
0xb3: {  	_ =	swait.ge @!p0 [sflag:s0], s1  }
0xb4: {  	s1 =	ssub.s32 @!p0 $0x0, s1;
	[sflag:s0] =	ssyncset.done @!p0 $0x0  }
0xb5: {  	[sflag:s0] =	ssyncadd.s32 @!p0 s1  }
0xb6: {  	[bflag:$0x3] =	sbarrier.arrive $0xFFFF  }
0xb7: {  	_ =	shalt  }

// kernel: sparse-core-data-format-call.cloned.1.call-start
scs
called_computation_lowered:
.L_overlay_start_0:
0x0: {  	s2 =	sld [smem:$0x3FD9]  }
0x1: {  	s3 =	sld [smem:$0x3FFE];
	_ =	sdelay $0x1  }
0x2: {  	s1 =	srdreg.scid  }
0x3: {  	s0 =	sand.u32 $0x1, s1  }
0x4: {  	s15 =	sshll.u32 s0, $0xA;
	s2 =	sadd.s32 s3, s2  }
0x5: {  	s2 =	sadd.s32 s2, s15  }
0x6: {  	[smem:$0x3FC5] =	sst s2  }
0x7: {  	_ = 	snop  }
0x8: {  	s2 =	sld [smem:$0x3FD0];
	_ =	sdelay $0x2  }
0x9: {  	s16 =	simm.s32 $0xA;
	s4 =	simm.s32 $0x10  }
0xa: {  	[smem:s4], [sflag:s16] =	dma.local [hbm:s2], $0x1  }
0xb: {  	_ =	swait.eq [sflag:s16], $0x1  }
0xc: {  	[sflag:s16] =	ssyncset.done $0x0  }
0xd: {  	[sflag:s16] =	ssyncadd.s32 $0xFFFFFFFF  }
0xe: {  	s17 =	sld [smem:$0x10];
	(tm) =	ssettm $0x1  }
0xf: {  	s18 =	sld [smem:$0x3FFB];
	_ =	sdelay $0x3  }
0x10: {  	_ =	strace s18  }
0x11: {  	s3 =	sld [smem:$0x3FFC];
	_ =	sdelay $0x3  }
0x12: {  	_ =	strace s3  }
0x13: {  	s3 =	sld [smem:$0x3FFD];
	_ =	sdelay $0x3  }
0x14: {  	_ =	strace s3  }
0x15: {  	_ =	strace $0x8FFFFFFF  }
0x16: {  	s19 =	sld [smem:$0x3FDB];
	_ =	sdelay $0x1  }
0x17: {  	s20 =	simm.s32 $_scs_section_size  }
0x18: {  	s5 =	simm.s32 $_size__tile_overlayer_lowered;
	s6 =	simm.s32 $_tile_overlayer_lowered  }
0x19: {  	s23 =	simm.s32 $0x1BFF;
	s22 =	sshll.u32 s6, $0x1;
	s3 =	sadd.s32 s20, s19  }
0x1a: {  	s7 =	simm.s32 $0x0;
	s21 =	sshll.u32 s5, $0x1;
	s5 =	sadd.s32 s22, s3  }
0x1b: {  	[timem:s7], [sflag:s23] =	dma.local [hbm:s5], s21  }
0x1c: {  	_ =	swait.ge [sflag:s23], s21  }
0x1d: {  	s4 =	ssub.s32 $0x0, s21;
	[sflag:s23] =	ssyncset.done $0x0  }
0x1e: {  	[sflag:s23] =	ssyncadd.s32 s4;
	_ =	sdelay $0x1  }
0x1f: {  	s24 =	simm.s32 $0x1B8B  }
0x20: {  	_ =	swait.ge [sflag:s24], $0x1  }
0x21: {  	[sflag:s24] =	ssyncset.done $0x0  }
0x22: {  	s26 =	simm.s32 $0x1B8E;
	s25 =	sld [smem:$0x3FFE];
	[sflag:s24] =	ssyncadd.s32 $0xFFFFFFFF  }
0x23: {  	s27 =	simm.s32 $execute0_lowered;
	[smem:$0x3FD2] =	sst s26  }
0x24: {  	s5 =	sshll.u32 s27, $0x1;
	_ =	strace $0x80000049;
	[dreg:$0x1] =	wrdreg $0xFFFFFFFF  }
0x25: {  	s28 =	simm.s32 $_size_execute0_lowered;
	s3 =	sadd.s32 s3, s5;
	[dreg:$0x0] =	wrdreg $0x0  }
0x26: {  	s5 =	sshll.u32 s28, $0x1;
	[dreg:$0x2] =	wrdreg s3  }
0x27: {  	[dreg:$0x3] =	wrdreg s5  }
0x28: {  	[dreg:$0x4] =	wrdreg $0xC0  }
0x29: {  	_ =	task [dreg:s7], $0x5FFFF  }
0x2a: {  	[dreg:$0x1] =	wrdreg $0xFFFFFFFF  }
0x2b: {  	[dreg:$0x0] =	wrdreg $0x60  }
0x2c: {  	[dreg:$0x2] =	wrdreg s25  }
0x2d: {  	[dreg:$0x3] =	wrdreg s17  }
0x2e: {  	[dreg:$0x4] =	wrdreg $0x9  }
0x2f: {  	_ =	task.clear_ibuf [dreg:s7], $0x5FFFF;
	_ =	strace $0x90000049  }
0x30: {  	s29 =	simm.s32 $0x9;
	_ =	strace $0x8000004B  }
0x31: {  	_ =	swait.ge [sflag:s29], $0x1  }
0x32: {  	[sflag:s29] =	ssyncadd.s32 $0xFFFFFFFF  }
0x33: {  	_ =	strace $0x9000004B  }
0x34: {  	_ =	sfence  }
0x35: {  	s30 =	sld [smem:$0x0];
	_ =	sdelay $0x2  }
0x36: {  	s31 =	sshll.u32 s1, $0xD;
	s1 =	sshrl.u32 s1, $0x2  }
0x37: {  	s3 =	sand.u32 $0x4000, s31;
	s1 =	sadd.s32 s1, s30  }
0x38: {  	s0 =	sor.u32 s3, s0;
	s1 =	sshll.u32 s1, $0x11  }
0x39: {  	s0 =	sor.u32 s1, s0  }
0x3a: {  	s0 =	sadd.s32 $0x8F2B, s0  }
0x3b: {  	[sflag:s0] =	ssyncadd.remote.s32 $0x1  }
0x3c: {  	_ =	sfence.sel $0xFFFF  }
0x3d: {  	[dreg:$0x0] =	wrdreg $0xFFFFFFFF;
	(pc) =	sbr.abs _section_cstart, $3  }
0x3e: {  	[dreg:$0x1] =	wrdreg $0xFFFFFFFF  }
0x3f: {  	_ =	task.clear_ibuf [dreg:s7], $0x2FFFF;
	_ =	strace $0x9FFFFFFF  }
0x40: {  	(tm) =	ssettm $0x7FFFFFFF  }
0x41: {  	_ =	shalt  }
tec
execute0_lowered:
.L_overlay_start_1:
0x0: {  	(tag) =	ssettag $0x1  }
0x1: {  	s0 =	srdreg.scid  }
0x2: {  	s1 =	sshll.u32 s0, $0x4  }
0x3: {  	s6 =	rddreg [dreg:$0x0];
	s0 =	stileid.u32;
	s1 =	sand.u32 $0x10, s1  }
0x4: {  	s3 =	rddreg [dreg:$0x1];
	s1 =	sor.u32 s0, s1  }
0x5: {  	s5 =	simm.s32 $0x1;
	s31 =	simm.s32 $0x2;
	s2 =	sshll.u32 s1, $0x7  }
0x6: {  	s14 =	simm.s32 $0x0;
	s8 =	simm.s32 $0x1000;
	s4 =	ssub.s32 $0x1000, s2  }
0x7: {  	s9 =	simm.s32 $0x0;
	s15 =	simm.s32 $0x0;
	s30 =	sand.u32 $0xF80, s4  }
0x8: {  	s16 =	simm.s32 $0x0;
	s10 =	simm.s32 $0x0;
	p0 =	sne.s32 s30, $0x0  }
.Ltmp0:
0x9: {  	s7 =	sshrl.u32 s4, $0xC;
	s5 =	simm.s32 @!p0 $0x0;
	(pc) =	sbr.rel .LBB1_1-.Ltmp0, $4  }
0xa: {  	s11 =	simm.s32 $0x0;
	s1 =	rddreg [dreg:$0x2];
	s5 =	sadd.s32 s5, s7  }
0xb: {  	_ =	strace $0x8000004A;
	s4 =	simm.s32 $0x1;
	s5 =	smul.u32 $0x134, s5  }
0xc: {  	s13 =	simm.s32 $0x0;
	s6 =	sadd.s32 $0x1000, s6;
	[sflag:s4] =	ssyncpa.u1 $0x0  }
0xd: {  	s12 =	smov.u32 s2;
	[sflag:s31] =	ssyncpa.u1 $0x0;
	s7 =	sor.u32 $0x1, s5  }
.LBB1_4:
0xe: {  	_ =	sdelay $0x3  }
0xf: {  	[tilespmem:v0+s19+$0xFFFFFFD0 ss:$0x1] =	vst.idx.msk $0xffff, v6  }
0x10: {  	v56 =	vld.idx.msk [tilespmem:v1+s18+$0x0 ss:$0x1], $0xffff;
	[tilespmem:v0+s19+$0xFFFFFFE0 ss:$0x1] =	vst.idx.msk $0xffff, v4  }
0x11: {  	v57 =	vld.idx.msk [tilespmem:v1+s18+$0xFFFFFF90 ss:$0x1], $0xffff;
	[tilespmem:v0+s19+$0xFFFFFFF0 ss:$0x1] =	vst.idx.msk $0xffff, v2  }
0x12: {  	v58 =	vld.idx.msk [tilespmem:v1+s18+$0xFFFFFFA0 ss:$0x1], $0xffff;
	[tilespmem:v0+s19+$0x0 ss:$0x1] =	vst.idx.msk $0xffff, v3  }
0x13: {  	v59 =	vld.idx.msk [tilespmem:v1+s18+$0xFFFFFFB0 ss:$0x1], $0xffff;
	[tilespmem:v0+s19+$0x10 ss:$0x1] =	vst.idx.msk $0xffff, v5  }
0x14: {  	v60 =	vld.idx.msk [tilespmem:v1+s18+$0xFFFFFFC0 ss:$0x1], $0xffff;
	[tilespmem:v0+s19+$0x20 ss:$0x1] =	vst.idx.msk $0xffff, v7  }
0x15: {  	v61 =	vld.idx.msk [tilespmem:v1+s18+$0xFFFFFFD0 ss:$0x1], $0xffff;
	s27 =	sshll.u32 s16, $0x9;
	[tilespmem:v0+s18+$0x30 ss:$0x1] =	vst.idx.msk $0xffff, v56  }
0x16: {  	s20 =	sshll.u32 s14, $0x3;
	v62 =	vld.idx.msk [tilespmem:v1+s18+$0xFFFFFFE0 ss:$0x1], $0xffff;
	s28 =	sshll.u32 s16, $0x7;
	s30 =	sand.u32 $0x78, s14;
	[tilespmem:v0+s18+$0xFFFFFFC0 ss:$0x1] =	vst.idx.msk $0xffff, v57  }
0x17: {  	v63 =	vld.idx.msk [tilespmem:v1+s18+$0xFFFFFFF0 ss:$0x1], $0xffff;
	s15 =	sshll.u32 s15, $0x12;
	s19 =	sand.u32 $0x1FF000, s27;
	s20 =	sand.u32 $0x1FFC00, s20;
	[tilespmem:v0+s18+$0xFFFFFFD0 ss:$0x1] =	vst.idx.msk $0xffff, v58  }
0x18: {  	s29 =	sand.u32 $0x200, s28;
	s16 =	sand.u32 $0x180, s28;
	s19 =	sadd.s32 s19, s20;
	[tilespmem:v0+s18+$0xFFFFFFE0 ss:$0x1] =	vst.idx.msk $0xffff, v59  }
0x19: {  	s31 =	sand.u32 $0x7, s14;
	s16 =	sor.u32 s16, s30;
	s19 =	sor.u32 s29, s19;
	[tilespmem:v0+s18+$0xFFFFFFF0 ss:$0x1] =	vst.idx.msk $0xffff, v60  }
0x1a: {  	s15 =	sadd.s32 s3, s15;
	s16 =	sshrl.u32 s16, $0x3;
	s19 =	sshrl.u32 s19, $0x3;
	[tilespmem:v0+s18+$0x0 ss:$0x1] =	vst.idx.msk $0xffff, v61  }
0x1b: {  	s14 =	sshll.u32 s31, $0x12;
	s15 =	sadd.s32 s16, s15;
	[tilespmem:v0+s18+$0x10 ss:$0x1] =	vst.idx.msk $0xffff, v62;
	s19 =	sand.u32 $0x3FFC0, s19  }
0x1c: {  	s14 =	sor.u32 $0x400, s14;
	[tilespmem:v0+s18+$0x20 ss:$0x1] =	vst.idx.msk $0xffff, v63;
	s15 =	sadd.s32 s19, s15  }
0x1d: {  	[hbm4b:s15+s14] =	stream.strided.scatter [tilespmem:s17], [sflag:$0x2], $0x4000, s8, s14, $0x38;
	[tilespmem:$0x10000] =	vst v63  }
.LBB1_5:
0x1e: {  	s17 =	sadd.s32 $0x80, s10  }
0x1f: {  	s14 =	simm.s32 $0x1;
	p1 =	sgt.s32 s17, $0x1FF  }
0x20: {  	s14 =	simm.s32 @!p1 $0x0  }
0x21: {  	s18 =	sadd.s32 s14, s11  }
0x22: {  	s20 =	smov.u32 s12;
	s14 =	sadd.s32 $0x1000, s12;
	p2 =	sgt.s32 s18, $0x4C  }
0x23: {  	s20 =	smov.u32 @p2 s14  }
0x24: {  	p0 =	slt.u32 s13, $0x2;
	s17 =	simm.s32 @p1 $0x0;
	p1 =	sgt.s32 s20, $0xFFF  }
0x25: {  	s19 =	simm.s32 @!p0 $0x2;
	s20 =	smov.u32 @p1 s2;
	p1 =	sne.s32 s13, s7  }
.Ltmp1:
0x26: {  	_ =	swait.ge @!p0 [sflag:s19], $0x4000;
	(pc) =	sbr.rel @!p1 .LBB1_6-.Ltmp1, $4  }
0x27: {  	s15 =	smov.u32 s11;
	[sflag:s19] =	ssyncset.done @!p0 $0x0  }
0x28: {  	s16 =	smov.u32 s12;
	s9 =	sadd.s32 $0x4000, s9;
	[sflag:s19] =	ssyncadd.s32 @!p0 $0xFFFFC000  }
0x29: {  	s18 =	simm.s32 @p2 $0x0;
	s14 =	smov.u32 s10;
	s10 =	smov.u32 s17  }
0x2a: {  	s11 =	smov.u32 s18;
	s13 =	sadd.s32 $0x1, s13;
	s12 =	smov.u32 s20  }
.LBB1_1:
0x2b: {  	p0 =	sge.u32 s13, s5  }
0x2c: {  	s17 =	sshll.u32 @!p0 s11, $0x9;
	s18 =	sshll.u32 @!p0 s10, $0x3  }
0x2d: {  	s19 =	sshll.u32 @!p0 s11, $0x7;
	s17 =	sand.u32 @!p0 $0xFFFFF000, s17;
	s18 =	sand.u32 @!p0 $0xFFFFFC00, s18  }
0x2e: {  	s17 =	sadd.s32 @!p0 s17, s18;
	s18 =	sand.u32 @!p0 $0x200, s19  }
0x2f: {  	s17 =	sor.u32 @!p0 s18, s17  }
0x30: {  	s17 =	sshrl.u32 @!p0 s17, $0x9  }
0x31: {  	s31 =	sadd.s32 $0xFFFFFFFF, s13;
	s18 =	smulhi.u32 @!p0 $0x3333334, s17  }
0x32: {  	s20 =	sxor.u32 @!p0 $0xFFFFFFFF, s13;
	s21 =	sand.u32 @!p0 $0x78, s10;
	s22 =	smul.u32 @!p0 $0x1400, s12  }
0x33: {  	s20 =	sshll.u32 @!p0 s20, $0xE;
	s19 =	sand.u32 @!p0 $0x180, s19;
	s18 =	smul.u32 @!p0 $0x50, s18  }
0x34: {  	s20 =	sand.u32 @!p0 $0x4000, s20;
	s19 =	sor.u32 @!p0 s21, s19;
	s21 =	sand.u32 @!p0 $0x7, s10  }
0x35: {  	s17 =	ssub.s32 @!p0 s17, s18;
	s18 =	sshrl.u32 @!p0 s19, $0x3;
	s19 =	sadd.s32 @!p0 s6, s22  }
0x36: {  	s17 =	sshll.u32 @!p0 s17, $0x6;
	s18 =	sadd.s32 @!p0 s18, s19;
	s19 =	sshll.u32 @!p0 s21, $0x12  }
0x37: {  	s17 =	sadd.s32 @!p0 s17, s18;
	s18 =	sor.u32 @!p0 $0x80, s19;
	s19 =	simm.s32 @!p0 $0xA000  }
0x38: {  	[tilespmem:s20], [sflag:$0x1] =	stream.strided.gather @!p0 [hbm4b:s17+s18], $0x4000, s19, s18, $0x38;
	[tilespmem:$0x10000] =	vst v63  }
0x39: {  	p0 =	sge.u32 s31, s5  }
.Ltmp2:
0x3a: {  	_ = 	snop;
	(pc) =	sbr.rel @p0 .LBB1_5-.Ltmp2, $1  }
0x3b: {  	_ =	sdelay $0x3  }
0x3c: {  	s17 =	sand.u32 $0x4000, s9  }
0x3d: {  	s18 =	sor.u32 $0x70, s17  }
0x3e: {  	v1 =	vmov s18;
	_ =	sdelay $0x1  }
0x3f: {  	_ =	swait.ge [sflag:s4], $0x4000  }
0x40: {  	[sflag:s4] =	ssyncset.done $0x0  }
0x41: {  	s19 =	simm.s32 $0x0;
	[sflag:s4] =	ssyncadd.s32 $0xFFFFC000  }
0x42: {  	s17 =	sor.u32 $0x8040, s17;
	v7 =	vld.idx.msk [tilespmem:v1+s19+$0x0 ss:$0x1], $0xffff  }
0x43: {  	v0 =	vmov s17;
	v8 =	vld.idx.msk [tilespmem:v1+s19+$0xFFFFFF90 ss:$0x1], $0xffff  }
0x44: {  	v6 =	vld.idx.msk [tilespmem:v1+s19+$0xFFFFFFA0 ss:$0x1], $0xffff  }
0x45: {  	v4 =	vld.idx.msk [tilespmem:v1+s19+$0xFFFFFFB0 ss:$0x1], $0xffff  }
0x46: {  	v2 =	vld.idx.msk [tilespmem:v1+s19+$0xFFFFFFC0 ss:$0x1], $0xffff  }
0x47: {  	s31 =	sshll.u32 s13, $0xE;
	v3 =	vld.idx.msk [tilespmem:v1+s19+$0xFFFFFFD0 ss:$0x1], $0xffff  }
0x48: {  	s17 =	sand.u32 $0x4000, s31;
	v5 =	vld.idx.msk [tilespmem:v1+s19+$0xFFFFFFE0 ss:$0x1], $0xffff;
	[tilespmem:v0+s19+$0x30 ss:$0x1] =	vst.idx.msk $0xffff, v7  }
0x49: {  	s20 =	simm.s32 $0x400;
	s18 =	simm.s32 $0x80;
	s17 =	sor.u32 $0x8000, s17;
	[tilespmem:v0+s19+$0xFFFFFFC0 ss:$0x1] =	vst.idx.msk $0xffff, v8;
	v7 =	vld.idx.msk [tilespmem:v1+s19+$0xFFFFFFF0 ss:$0x1], $0xffff  }
.LBB1_3:
0x4a: {  	p0 =	sne.s32 s20, $0xFE00;
	v8 =	vld.idx.msk [tilespmem:v1+s18+$0x0 ss:$0x1], $0xffff;
	[tilespmem:v0+s19+$0xFFFFFFD0 ss:$0x1] =	vst.idx.msk $0xffff, v6  }
0x4b: {  	v9 =	vld.idx.msk [tilespmem:v1+s18+$0xFFFFFF90 ss:$0x1], $0xffff;
	[tilespmem:v0+s19+$0xFFFFFFE0 ss:$0x1] =	vst.idx.msk $0xffff, v4  }
0x4c: {  	v6 =	vld.idx.msk [tilespmem:v1+s18+$0xFFFFFFA0 ss:$0x1], $0xffff;
	[tilespmem:v0+s19+$0xFFFFFFF0 ss:$0x1] =	vst.idx.msk $0xffff, v2  }
.Ltmp3:
0x4d: {  	v4 =	vld.idx.msk [tilespmem:v1+s18+$0xFFFFFFB0 ss:$0x1], $0xffff;
	[tilespmem:v0+s19+$0x0 ss:$0x1] =	vst.idx.msk $0xffff, v3;
	(pc) =	sbr.rel @p0 .LBB1_3-.Ltmp3, $4  }
0x4e: {  	v2 =	vld.idx.msk [tilespmem:v1+s18+$0xFFFFFFC0 ss:$0x1], $0xffff;
	[tilespmem:v0+s19+$0x10 ss:$0x1] =	vst.idx.msk $0xffff, v5  }
0x4f: {  	v3 =	vld.idx.msk [tilespmem:v1+s18+$0xFFFFFFD0 ss:$0x1], $0xffff;
	[tilespmem:v0+s19+$0x20 ss:$0x1] =	vst.idx.msk $0xffff, v7;
	s19 =	smov.u32 s18  }
0x50: {  	v5 =	vld.idx.msk [tilespmem:v1+s19+$0xFFFFFFE0 ss:$0x1], $0xffff;
	[tilespmem:v0+s19+$0x30 ss:$0x1] =	vst.idx.msk $0xffff, v8  }
0x51: {  	s18 =	sshra.s32 s20, $0x2;
	s20 =	sadd.s32 $0x200, s20;
	[tilespmem:v0+s19+$0xFFFFFFC0 ss:$0x1] =	vst.idx.msk $0xffff, v9;
	v7 =	vld.idx.msk [tilespmem:v1+s19+$0xFFFFFFF0 ss:$0x1], $0xffff  }
.Ltmp4:
0x52: {  	_ = 	snop;
	(pc) =	sbr.rel .LBB1_4-.Ltmp4, $1  }
0x53: {  	_ =	sdelay $0x3  }
.LBB1_6:
0x54: {  	_ =	sfence.sel $0x180000  }
0x55: {  	s2 =	simm.s32 $0x1;
	[bflag:$0x0] =	sbarrier.arrive $0xFFFF  }
0x56: {  	s31 =	simm.s32 $0x2;
	[sflag:s2] =	ssyncpa.u1 $0x1  }
0x57: {  	[sflag:s31] =	ssyncpa.u1 $0x1  }
0x58: {  	p0 =	sne.s32 s0, $0x0;
	_ =	strace $0x9000004A  }
0x59: {  	s0 =	sadd.s32 @!p0 $0x100000, s1;
	[bflag:$0x2] =	sbarrier.arrive $0xFFFF  }
0x5a: {  	[sflag:s0] =	ssyncadd.tile.s32 @!p0 $0x1;
	_ =	shalt  }
.Lfunc_end1:
_tile_overlayer_lowered:
.L_overlay_start_2:
0x5b: {  	(tag) =	ssettag $0x2  }
0x5c: {  	s0 =	rddreg [dreg:$0x0];
	s2 =	stileid.u32  }
0x5d: {  	s1 =	rddreg [dreg:$0x1];
	p0 =	sne.s32 s2, $0x0  }
0x5e: {  	s3 =	rddreg [dreg:$0x2];
	[bflag:$0x3] =	sbarrier.arrive $0xFFFF;
	s2 =	simm.s32 @!p0 $0x1C01  }
0x5f: {  	[timem:s3], [sflag:s2] =	dma.local @!p0 [hbm:s0], s1  }
0x60: {  	s0 =	simm.s32 @!p0 $0x1  }
0x61: {  	_ =	swait.ge @!p0 [sflag:s0], s1  }
0x62: {  	s1 =	ssub.s32 @!p0 $0x0, s1;
	[sflag:s0] =	ssyncset.done @!p0 $0x0  }
0x63: {  	[sflag:s0] =	ssyncadd.s32 @!p0 s1  }
0x64: {  	[bflag:$0x3] =	sbarrier.arrive $0xFFFF  }
0x65: {  	_ =	shalt  }

</sc_bundles>
